<compile_context>
chip_gen: v7x
topology: tpu7x:2x2x1
jax: 0.10.2.dev20260603
libtpu: 0.0.44.dev20260713+nightly
codegen_flags: <defaults>
</compile_context>

<pallas_src>
import jax
import jax.numpy as jnp
from jax import lax
from jax.experimental import pallas as pl
from jax.experimental.pallas import tpu as pltpu
from jax.experimental.pallas import tpu_sc as plsc

NC = 2
NS = 16
NW = NC * NS
LANES = 16
SR = 8
HALF = 2048


def _permute_body(B, D, u_hbm, perm_hbm, out_hbm,
                  idx_v, in0, in1, ob0, ob1,
                  isem0, isem1, osem0, osem1):
    rows_per_w = B // NW
    n_stripes = rows_per_w // SR

    wid = lax.axis_index("s") * NC + lax.axis_index("c")
    base = wid * rows_per_w

    in_bufs, isems = (in0, in1), (isem0, isem1)
    out_bufs, osems = (ob0, ob1), (osem0, osem1)

    pltpu.sync_copy(perm_hbm, idx_v)

    for b in range(2):
        pltpu.async_copy(u_hbm.at[pl.ds(base + b * SR, SR)],
                         in_bufs[b], isems[b])

    def stripe(k, b):
        row0 = base + k * SR
        in_v = in_bufs[b]
        pltpu.make_async_copy(u_hbm.at[pl.ds(row0, SR)],
                              in_v, isems[b]).wait()
        for h in range(2):
            m = 2 * k + h
            ob = h
            out_v = out_bufs[ob]

            @pl.when(m >= 2)
            def _():
                pltpu.make_async_copy(
                    out_v, out_hbm.at[pl.ds(row0, SR), pl.ds(h * HALF, HALF)],
                    osems[ob]).wait()

            @plsc.parallel_loop(0, HALF // LANES, unroll=2)
            def _(j):
                j16 = j * LANES
                idx16 = idx_v[pl.ds(h * HALF + j16, LANES)]
                for r in range(SR):
                    rvec = jnp.full((LANES,), r, jnp.int32)
                    vals = plsc.load_gather(in_v, [rvec, idx16])
                    out_v[r, pl.ds(j16, LANES)] = vals

            plsc.subcore_barrier()

            pltpu.async_copy(
                out_v, out_hbm.at[pl.ds(row0, SR), pl.ds(h * HALF, HALF)],
                osems[ob])

        @pl.when(k + 2 < n_stripes)
        def _():
            pltpu.async_copy(u_hbm.at[pl.ds(row0 + 2 * SR, SR)],
                             in_v, isems[b])

    def pair_body(kk, carry):
        for b in range(2):
            stripe(kk * 2 + b, b)
        return carry

    lax.fori_loop(0, n_stripes // 2, pair_body, 0)

    for ob in range(2):
        pltpu.make_async_copy(
            out_bufs[ob], out_hbm.at[pl.ds(base, SR), pl.ds(ob * HALF, HALF)],
            osems[ob]).wait()


def kernel(u, inv_perm):
    B, D = u.shape
    mesh = plsc.VectorSubcoreMesh(
        core_axis_name="c", subcore_axis_name="s",
        num_cores=NC, num_subcores=NS,
    )
    f = pl.kernel(
        lambda *refs: _permute_body(B, D, *refs),
        out_type=jax.ShapeDtypeStruct((B, D), jnp.float32),
        mesh=mesh,
        compiler_params=pltpu.CompilerParams(
            use_tc_tiling_on_sc=True, needs_layout_passes=False,
        ),
        scratch_types=[
            pltpu.VMEM((D,), jnp.int32),
            pltpu.VMEM((SR, D), jnp.float32),
            pltpu.VMEM((SR, D), jnp.float32),
            pltpu.VMEM((SR, HALF), jnp.float32),
            pltpu.VMEM((SR, HALF), jnp.float32),
            pltpu.SemaphoreType.DMA,
            pltpu.SemaphoreType.DMA,
            pltpu.SemaphoreType.DMA,
            pltpu.SemaphoreType.DMA,
        ],
    )
    return f(u, inv_perm.astype(jnp.int32))

# --- scband reference (transcript-rebuilt; emitter-appended) ---
"""Pipeline reference for scband-permute-64768106824226 (READ-ONLY COPY).

The authoritative reference and input builder live on the scoring server;
editing this copy changes nothing except your own understanding.
"""

import jax, jax.numpy as jnp
import numpy as np

D = 4096
B = 8192

def setup_inputs(seed: int = 0) -> dict:
    key = jax.random.key(seed)
    rng = np.random.RandomState(0)
    perm = rng.permutation(D)
    inv_perm = jnp.asarray(np.argsort(perm), dtype=jnp.int32)
    u = jax.random.normal(key, (B, D), dtype=jnp.float32)
    return {"u": u, "inv_perm": inv_perm}

def reference(u, inv_perm):
    # Faithful translation of Permute.forward: gather columns by inv_perm
    return jnp.take(u, inv_perm, axis=1)

if __name__ == "__main__":
    import jax
    _d = setup_inputs()
    print(jax.jit(kernel)(*tuple(_d.values())))

</pallas_src>

<mosaic_0001>
#map = affine_map<(d0, d1) -> (0, 0)>
#map1 = affine_map<(d0, d1) -> (0)>
module attributes {stable_mosaic.version = 14 : i64} {
  func.func @_lambda_(%arg0: i32, %arg1: i32, %arg2: memref<8192x4096xf32, #tpu.memory_space<hbm>>, %arg3: memref<4096xi32, #tpu.memory_space<hbm>>, %arg4: memref<8192x4096xf32, #tpu.memory_space<hbm>>, %arg5: memref<4096xi32, #tpu.memory_space<vmem>>, %arg6: memref<8x4096xf32, #tpu.memory_space<vmem>>, %arg7: memref<8x4096xf32, #tpu.memory_space<vmem>>, %arg8: memref<8x2048xf32, #tpu.memory_space<vmem>>, %arg9: memref<8x2048xf32, #tpu.memory_space<vmem>>, %arg10: memref<!tpu.dma_semaphore, #tpu.memory_space<semaphore_mem>>, %arg11: memref<!tpu.dma_semaphore, #tpu.memory_space<semaphore_mem>>, %arg12: memref<!tpu.dma_semaphore, #tpu.memory_space<semaphore_mem>>, %arg13: memref<!tpu.dma_semaphore, #tpu.memory_space<semaphore_mem>>) attributes {dimension_semantics = [#tpu.dimension_semantics<core_parallel>, #tpu.dimension_semantics<subcore_parallel>], iteration_bounds = array<i64: 2, 16>, scalar_prefetch = 0 : i64, scratch_operands = 9 : i64, tpu.core_type = #tpu.core_type<sc_vector_subcore>, window_params = [{transform_indices = #map}, {transform_indices = #map1}, {transform_indices = #map}]} {
    %mul3A = arith.constant 2 : i32
    %mul3A_0 = arith.muli %arg1, %mul3A : i32
    %add3A = arith.addi %mul3A_0, %arg0 : i32
    %mul3A_1 = arith.constant 256 : i32
    %mul3A_2 = arith.muli %add3A, %mul3A_1 : i32
    "tpu.region"() ({
      %run_scoped3A = tpu.sem_alloc : memref<!tpu.dma_semaphore, #tpu.memory_space<semaphore_mem>>
      tpu.enqueue_dma source(%arg3 : memref<4096xi32, #tpu.memory_space<hbm>>) target(%arg5 : memref<4096xi32, #tpu.memory_space<vmem>>) target_semaphore(%run_scoped3A : memref<!tpu.dma_semaphore, #tpu.memory_space<semaphore_mem>>)
      tpu.wait_dma2 semaphore(%run_scoped3A : memref<!tpu.dma_semaphore, #tpu.memory_space<semaphore_mem>>) src(%arg3 : memref<4096xi32, #tpu.memory_space<hbm>>) dst(%arg5 : memref<4096xi32, #tpu.memory_space<vmem>>)
      tpu.yield
    }) : () -> ()
    %add3A_3 = arith.constant 0 : i32
    %add3A_4 = arith.addi %mul3A_2, %add3A_3 : i32
    %dma_start3A = arith.constant 0 : i32
    %dma_start3A_5 = tpu.memref_slice %arg2[%add3A_4, %dma_start3A] : memref<8192x4096xf32, #tpu.memory_space<hbm>> -> memref<8x4096xf32, #tpu.memory_space<hbm>>
    %dma_start3A_6 = arith.constant 0 : i32
    %dma_start3A_7 = tpu.memref_slice %arg2[%add3A_4, %dma_start3A_6] : memref<8192x4096xf32, #tpu.memory_space<hbm>> -> memref<8x4096xf32, #tpu.memory_space<hbm>>
    tpu.enqueue_dma source(%dma_start3A_7 : memref<8x4096xf32, #tpu.memory_space<hbm>>) target(%arg6 : memref<8x4096xf32, #tpu.memory_space<vmem>>) target_semaphore(%arg10 : memref<!tpu.dma_semaphore, #tpu.memory_space<semaphore_mem>>)
    %add3A_8 = arith.constant 8 : i32
    %add3A_9 = arith.addi %mul3A_2, %add3A_8 : i32
    %dma_start3A_10 = arith.constant 0 : i32
    %dma_start3A_11 = tpu.memref_slice %arg2[%add3A_9, %dma_start3A_10] : memref<8192x4096xf32, #tpu.memory_space<hbm>> -> memref<8x4096xf32, #tpu.memory_space<hbm>>
    %dma_start3A_12 = arith.constant 0 : i32
    %dma_start3A_13 = tpu.memref_slice %arg2[%add3A_9, %dma_start3A_12] : memref<8192x4096xf32, #tpu.memory_space<hbm>> -> memref<8x4096xf32, #tpu.memory_space<hbm>>
    tpu.enqueue_dma source(%dma_start3A_13 : memref<8x4096xf32, #tpu.memory_space<hbm>>) target(%arg7 : memref<8x4096xf32, #tpu.memory_space<vmem>>) target_semaphore(%arg11 : memref<!tpu.dma_semaphore, #tpu.memory_space<semaphore_mem>>)
    %scan3A = arith.constant 0 : i32
    %scan3A_14 = arith.constant 0 : i32
    %scan3A_15 = arith.constant 16 : i32
    %scan3A_16 = arith.addi %scan3A_14, %scan3A_15 : i32
    %scan3A_17 = arith.constant 1 : i32
    scf.for %scan3A_26 = %scan3A_14 to %scan3A_16 step %scan3A_17  : i32 {
      %mul3A_27 = arith.constant 2 : i32
      %mul3A_28 = arith.muli %scan3A_26, %mul3A_27 : i32
      %add3A_29 = arith.constant 0 : i32
      %add3A_30 = arith.addi %mul3A_28, %add3A_29 : i32
      %mul3A_31 = arith.constant 8 : i32
      %mul3A_32 = arith.muli %add3A_30, %mul3A_31 : i32
      %add3A_33 = arith.addi %mul3A_2, %mul3A_32 : i32
      %dma_wait3A_34 = arith.constant 0 : i32
      %dma_wait3A_35 = tpu.memref_slice %arg2[%add3A_33, %dma_wait3A_34] : memref<8192x4096xf32, #tpu.memory_space<hbm>> -> memref<8x4096xf32, #tpu.memory_space<hbm>>
      %dma_wait3A_36 = arith.constant 0 : i32
      %dma_wait3A_37 = tpu.memref_slice %arg2[%add3A_33, %dma_wait3A_36] : memref<8192x4096xf32, #tpu.memory_space<hbm>> -> memref<8x4096xf32, #tpu.memory_space<hbm>>
      tpu.wait_dma2 semaphore(%arg10 : memref<!tpu.dma_semaphore, #tpu.memory_space<semaphore_mem>>) src(%dma_wait3A_37 : memref<8x4096xf32, #tpu.memory_space<hbm>>) dst(%arg6 : memref<8x4096xf32, #tpu.memory_space<vmem>>)
      %mul3A_38 = arith.constant 2 : i32
      %mul3A_39 = arith.muli %mul3A_38, %add3A_30 : i32
      %add3A_40 = arith.constant 0 : i32
      %add3A_41 = arith.addi %mul3A_39, %add3A_40 : i32
      %ge3A = arith.constant 2 : i32
      %ge3A_42 = arith.cmpi sge, %add3A_41, %ge3A : i32
      %convert_element_type3A = arith.extui %ge3A_42 : i1 to i32
      %cond3A = arith.constant 0 : i32
      %cond3A_43 = arith.cmpi ne, %convert_element_type3A, %cond3A : i32
      scf.if %cond3A_43 {
        %dma_wait3A_125 = arith.constant 0 : i32
        %dma_wait3A_126 = tpu.memref_slice %arg4[%add3A_33, %dma_wait3A_125] : memref<8192x4096xf32, #tpu.memory_space<hbm>> -> memref<8x2048xf32, #tpu.memory_space<hbm>>
        %dma_wait3A_127 = arith.constant 0 : i32
        %dma_wait3A_128 = tpu.memref_slice %arg4[%add3A_33, %dma_wait3A_127] : memref<8192x4096xf32, #tpu.memory_space<hbm>> -> memref<8x2048xf32, #tpu.memory_space<hbm>>
        tpu.wait_dma2 semaphore(%arg12 : memref<!tpu.dma_semaphore, #tpu.memory_space<semaphore_mem>>) src(%arg8 : memref<8x2048xf32, #tpu.memory_space<vmem>>) dst(%dma_wait3A_128 : memref<8x2048xf32, #tpu.memory_space<hbm>>)
      } else {
      }
      %parallel_loop3A = arith.constant 0 : i32
      %parallel_loop3A_44 = arith.constant 128 : i32
      %parallel_loop3A_45 = arith.constant 1 : i32
      scf.for %parallel_loop3A_125 = %parallel_loop3A to %parallel_loop3A_44 step %parallel_loop3A_45  : i32 {
        %parallel_loop3A_126 = arith.constant 16 : i32
        %parallel_loop3A_127 = arith.muli %parallel_loop3A_125, %parallel_loop3A_126 : i32
        %parallel_loop3A_128 = arith.constant 0 : i32
        %parallel_loop3A_129 = arith.addi %parallel_loop3A_128, %parallel_loop3A_127 : i32
        %parallel_loop3A_130 = arith.index_cast %parallel_loop3A_129 : i32 to index
        %parallel_loop3A_131 = tpu.vector_load %arg5[%parallel_loop3A_130] {strides = array<i32>} : memref<4096xi32, #tpu.memory_space<vmem>>, vector<16xi32>,
        %parallel_loop3A_132 = arith.constant 0 : i32
        %parallel_loop3A_133 = vector.broadcast %parallel_loop3A_132 : i32 to vector<16xi32>
        %parallel_loop3A_134 = tpu.vector_load_idx %arg6[%parallel_loop3A_133, %parallel_loop3A_131] : memref<8x4096xf32, #tpu.memory_space<vmem>>[vector<16xi32>, vector<16xi32>], vector<16xf32>,
        %parallel_loop3A_135 = arith.constant 0 : i32
        %parallel_loop3A_136 = arith.index_cast %parallel_loop3A_135 : i32 to index
        %parallel_loop3A_137 = arith.index_cast %parallel_loop3A_127 : i32 to index
        %parallel_loop3A_138 = tpu.vector_load %arg8[%parallel_loop3A_136, %parallel_loop3A_137] {strides = array<i32>} : memref<8x2048xf32, #tpu.memory_space<vmem>>, vector<16xf32>,
        tpu.vector_store %arg8[%parallel_loop3A_136, %parallel_loop3A_137], %parallel_loop3A_134 {strides = array<i32>} : memref<8x2048xf32, #tpu.memory_space<vmem>>, vector<16xf32>,
        %parallel_loop3A_139 = arith.constant 1 : i32
        %parallel_loop3A_140 = vector.broadcast %parallel_loop3A_139 : i32 to vector<16xi32>
        %parallel_loop3A_141 = tpu.vector_load_idx %arg6[%parallel_loop3A_140, %parallel_loop3A_131] : memref<8x4096xf32, #tpu.memory_space<vmem>>[vector<16xi32>, vector<16xi32>], vector<16xf32>,
        %parallel_loop3A_142 = arith.constant 1 : i32
        %parallel_loop3A_143 = arith.index_cast %parallel_loop3A_142 : i32 to index
        %parallel_loop3A_144 = arith.index_cast %parallel_loop3A_127 : i32 to index
        %parallel_loop3A_145 = tpu.vector_load %arg8[%parallel_loop3A_143, %parallel_loop3A_144] {strides = array<i32>} : memref<8x2048xf32, #tpu.memory_space<vmem>>, vector<16xf32>,
        tpu.vector_store %arg8[%parallel_loop3A_143, %parallel_loop3A_144], %parallel_loop3A_141 {strides = array<i32>} : memref<8x2048xf32, #tpu.memory_space<vmem>>, vector<16xf32>,
        %parallel_loop3A_146 = arith.constant 2 : i32
        %parallel_loop3A_147 = vector.broadcast %parallel_loop3A_146 : i32 to vector<16xi32>
        %parallel_loop3A_148 = tpu.vector_load_idx %arg6[%parallel_loop3A_147, %parallel_loop3A_131] : memref<8x4096xf32, #tpu.memory_space<vmem>>[vector<16xi32>, vector<16xi32>], vector<16xf32>,
        %parallel_loop3A_149 = arith.constant 2 : i32
        %parallel_loop3A_150 = arith.index_cast %parallel_loop3A_149 : i32 to index
        %parallel_loop3A_151 = arith.index_cast %parallel_loop3A_127 : i32 to index
        %parallel_loop3A_152 = tpu.vector_load %arg8[%parallel_loop3A_150, %parallel_loop3A_151] {strides = array<i32>} : memref<8x2048xf32, #tpu.memory_space<vmem>>, vector<16xf32>,
        tpu.vector_store %arg8[%parallel_loop3A_150, %parallel_loop3A_151], %parallel_loop3A_148 {strides = array<i32>} : memref<8x2048xf32, #tpu.memory_space<vmem>>, vector<16xf32>,
        %parallel_loop3A_153 = arith.constant 3 : i32
        %parallel_loop3A_154 = vector.broadcast %parallel_loop3A_153 : i32 to vector<16xi32>
        %parallel_loop3A_155 = tpu.vector_load_idx %arg6[%parallel_loop3A_154, %parallel_loop3A_131] : memref<8x4096xf32, #tpu.memory_space<vmem>>[vector<16xi32>, vector<16xi32>], vector<16xf32>,
        %parallel_loop3A_156 = arith.constant 3 : i32
        %parallel_loop3A_157 = arith.index_cast %parallel_loop3A_156 : i32 to index
        %parallel_loop3A_158 = arith.index_cast %parallel_loop3A_127 : i32 to index
        %parallel_loop3A_159 = tpu.vector_load %arg8[%parallel_loop3A_157, %parallel_loop3A_158] {strides = array<i32>} : memref<8x2048xf32, #tpu.memory_space<vmem>>, vector<16xf32>,
        tpu.vector_store %arg8[%parallel_loop3A_157, %parallel_loop3A_158], %parallel_loop3A_155 {strides = array<i32>} : memref<8x2048xf32, #tpu.memory_space<vmem>>, vector<16xf32>,
        %parallel_loop3A_160 = arith.constant 4 : i32
        %parallel_loop3A_161 = vector.broadcast %parallel_loop3A_160 : i32 to vector<16xi32>
        %parallel_loop3A_162 = tpu.vector_load_idx %arg6[%parallel_loop3A_161, %parallel_loop3A_131] : memref<8x4096xf32, #tpu.memory_space<vmem>>[vector<16xi32>, vector<16xi32>], vector<16xf32>,
        %parallel_loop3A_163 = arith.constant 4 : i32
        %parallel_loop3A_164 = arith.index_cast %parallel_loop3A_163 : i32 to index
        %parallel_loop3A_165 = arith.index_cast %parallel_loop3A_127 : i32 to index
        %parallel_loop3A_166 = tpu.vector_load %arg8[%parallel_loop3A_164, %parallel_loop3A_165] {strides = array<i32>} : memref<8x2048xf32, #tpu.memory_space<vmem>>, vector<16xf32>,
        tpu.vector_store %arg8[%parallel_loop3A_164, %parallel_loop3A_165], %parallel_loop3A_162 {strides = array<i32>} : memref<8x2048xf32, #tpu.memory_space<vmem>>, vector<16xf32>,
        %parallel_loop3A_167 = arith.constant 5 : i32
        %parallel_loop3A_168 = vector.broadcast %parallel_loop3A_167 : i32 to vector<16xi32>
        %parallel_loop3A_169 = tpu.vector_load_idx %arg6[%parallel_loop3A_168, %parallel_loop3A_131] : memref<8x4096xf32, #tpu.memory_space<vmem>>[vector<16xi32>, vector<16xi32>], vector<16xf32>,
        %parallel_loop3A_170 = arith.constant 5 : i32
        %parallel_loop3A_171 = arith.index_cast %parallel_loop3A_170 : i32 to index
        %parallel_loop3A_172 = arith.index_cast %parallel_loop3A_127 : i32 to index
        %parallel_loop3A_173 = tpu.vector_load %arg8[%parallel_loop3A_171, %parallel_loop3A_172] {strides = array<i32>} : memref<8x2048xf32, #tpu.memory_space<vmem>>, vector<16xf32>,
        tpu.vector_store %arg8[%parallel_loop3A_171, %parallel_loop3A_172], %parallel_loop3A_169 {strides = array<i32>} : memref<8x2048xf32, #tpu.memory_space<vmem>>, vector<16xf32>,
        %parallel_loop3A_174 = arith.constant 6 : i32
        %parallel_loop3A_175 = vector.broadcast %parallel_loop3A_174 : i32 to vector<16xi32>
        %parallel_loop3A_176 = tpu.vector_load_idx %arg6[%parallel_loop3A_175, %parallel_loop3A_131] : memref<8x4096xf32, #tpu.memory_space<vmem>>[vector<16xi32>, vector<16xi32>], vector<16xf32>,
        %parallel_loop3A_177 = arith.constant 6 : i32
        %parallel_loop3A_178 = arith.index_cast %parallel_loop3A_177 : i32 to index
        %parallel_loop3A_179 = arith.index_cast %parallel_loop3A_127 : i32 to index
        %parallel_loop3A_180 = tpu.vector_load %arg8[%parallel_loop3A_178, %parallel_loop3A_179] {strides = array<i32>} : memref<8x2048xf32, #tpu.memory_space<vmem>>, vector<16xf32>,
        tpu.vector_store %arg8[%parallel_loop3A_178, %parallel_loop3A_179], %parallel_loop3A_176 {strides = array<i32>} : memref<8x2048xf32, #tpu.memory_space<vmem>>, vector<16xf32>,
        %parallel_loop3A_181 = arith.constant 7 : i32
        %parallel_loop3A_182 = vector.broadcast %parallel_loop3A_181 : i32 to vector<16xi32>
        %parallel_loop3A_183 = tpu.vector_load_idx %arg6[%parallel_loop3A_182, %parallel_loop3A_131] : memref<8x4096xf32, #tpu.memory_space<vmem>>[vector<16xi32>, vector<16xi32>], vector<16xf32>,
        %parallel_loop3A_184 = arith.constant 7 : i32
        %parallel_loop3A_185 = arith.index_cast %parallel_loop3A_184 : i32 to index
        %parallel_loop3A_186 = arith.index_cast %parallel_loop3A_127 : i32 to index
        %parallel_loop3A_187 = tpu.vector_load %arg8[%parallel_loop3A_185, %parallel_loop3A_186] {strides = array<i32>} : memref<8x2048xf32, #tpu.memory_space<vmem>>, vector<16xf32>,
        tpu.vector_store %arg8[%parallel_loop3A_185, %parallel_loop3A_186], %parallel_loop3A_183 {strides = array<i32>} : memref<8x2048xf32, #tpu.memory_space<vmem>>, vector<16xf32>,
      } {sc.loop_unroll_factor = 2 : i64, sc.parallel_access}
      %barrier3A = arith.constant 0 : index
      tpu.barrier barrier_id(%barrier3A)
      %dma_start3A_46 = arith.constant 0 : i32
      %dma_start3A_47 = tpu.memref_slice %arg4[%add3A_33, %dma_start3A_46] : memref<8192x4096xf32, #tpu.memory_space<hbm>> -> memref<8x2048xf32, #tpu.memory_space<hbm>>
      %dma_start3A_48 = arith.constant 0 : i32
      %dma_start3A_49 = tpu.memref_slice %arg4[%add3A_33, %dma_start3A_48] : memref<8192x4096xf32, #tpu.memory_space<hbm>> -> memref<8x2048xf32, #tpu.memory_space<hbm>>
      tpu.enqueue_dma source(%arg8 : memref<8x2048xf32, #tpu.memory_space<vmem>>) target(%dma_start3A_49 : memref<8x2048xf32, #tpu.memory_space<hbm>>) target_semaphore(%arg12 : memref<!tpu.dma_semaphore, #tpu.memory_space<semaphore_mem>>)
      %mul3A_50 = arith.constant 2 : i32
      %mul3A_51 = arith.muli %mul3A_50, %add3A_30 : i32
      %add3A_52 = arith.constant 1 : i32
      %add3A_53 = arith.addi %mul3A_51, %add3A_52 : i32
      %ge3A_54 = arith.constant 2 : i32
      %ge3A_55 = arith.cmpi sge, %add3A_53, %ge3A_54 : i32
      %convert_element_type3A_56 = arith.extui %ge3A_55 : i1 to i32
      %cond3A_57 = arith.constant 0 : i32
      %cond3A_58 = arith.cmpi ne, %convert_element_type3A_56, %cond3A_57 : i32
      scf.if %cond3A_58 {
        %dma_wait3A_125 = arith.constant 2048 : i32
        %dma_wait3A_126 = tpu.memref_slice %arg4[%add3A_33, %dma_wait3A_125] : memref<8192x4096xf32, #tpu.memory_space<hbm>> -> memref<8x2048xf32, #tpu.memory_space<hbm>>
        %dma_wait3A_127 = arith.constant 2048 : i32
        %dma_wait3A_128 = tpu.memref_slice %arg4[%add3A_33, %dma_wait3A_127] : memref<8192x4096xf32, #tpu.memory_space<hbm>> -> memref<8x2048xf32, #tpu.memory_space<hbm>>
        tpu.wait_dma2 semaphore(%arg13 : memref<!tpu.dma_semaphore, #tpu.memory_space<semaphore_mem>>) src(%arg9 : memref<8x2048xf32, #tpu.memory_space<vmem>>) dst(%dma_wait3A_128 : memref<8x2048xf32, #tpu.memory_space<hbm>>)
      } else {
      }
      %parallel_loop3A_59 = arith.constant 0 : i32
      %parallel_loop3A_60 = arith.constant 128 : i32
      %parallel_loop3A_61 = arith.constant 1 : i32
      scf.for %parallel_loop3A_125 = %parallel_loop3A_59 to %parallel_loop3A_60 step %parallel_loop3A_61  : i32 {
        %parallel_loop3A_126 = arith.constant 16 : i32
        %parallel_loop3A_127 = arith.muli %parallel_loop3A_125, %parallel_loop3A_126 : i32
        %parallel_loop3A_128 = arith.constant 2048 : i32
        %parallel_loop3A_129 = arith.addi %parallel_loop3A_128, %parallel_loop3A_127 : i32
        %parallel_loop3A_130 = arith.index_cast %parallel_loop3A_129 : i32 to index
        %parallel_loop3A_131 = tpu.vector_load %arg5[%parallel_loop3A_130] {strides = array<i32>} : memref<4096xi32, #tpu.memory_space<vmem>>, vector<16xi32>,
        %parallel_loop3A_132 = arith.constant 0 : i32
        %parallel_loop3A_133 = vector.broadcast %parallel_loop3A_132 : i32 to vector<16xi32>
        %parallel_loop3A_134 = tpu.vector_load_idx %arg6[%parallel_loop3A_133, %parallel_loop3A_131] : memref<8x4096xf32, #tpu.memory_space<vmem>>[vector<16xi32>, vector<16xi32>], vector<16xf32>,
        %parallel_loop3A_135 = arith.constant 0 : i32
        %parallel_loop3A_136 = arith.index_cast %parallel_loop3A_135 : i32 to index
        %parallel_loop3A_137 = arith.index_cast %parallel_loop3A_127 : i32 to index
        %parallel_loop3A_138 = tpu.vector_load %arg9[%parallel_loop3A_136, %parallel_loop3A_137] {strides = array<i32>} : memref<8x2048xf32, #tpu.memory_space<vmem>>, vector<16xf32>,
        tpu.vector_store %arg9[%parallel_loop3A_136, %parallel_loop3A_137], %parallel_loop3A_134 {strides = array<i32>} : memref<8x2048xf32, #tpu.memory_space<vmem>>, vector<16xf32>,
        %parallel_loop3A_139 = arith.constant 1 : i32
        %parallel_loop3A_140 = vector.broadcast %parallel_loop3A_139 : i32 to vector<16xi32>
        %parallel_loop3A_141 = tpu.vector_load_idx %arg6[%parallel_loop3A_140, %parallel_loop3A_131] : memref<8x4096xf32, #tpu.memory_space<vmem>>[vector<16xi32>, vector<16xi32>], vector<16xf32>,
        %parallel_loop3A_142 = arith.constant 1 : i32
        %parallel_loop3A_143 = arith.index_cast %parallel_loop3A_142 : i32 to index
        %parallel_loop3A_144 = arith.index_cast %parallel_loop3A_127 : i32 to index
        %parallel_loop3A_145 = tpu.vector_load %arg9[%parallel_loop3A_143, %parallel_loop3A_144] {strides = array<i32>} : memref<8x2048xf32, #tpu.memory_space<vmem>>, vector<16xf32>,
        tpu.vector_store %arg9[%parallel_loop3A_143, %parallel_loop3A_144], %parallel_loop3A_141 {strides = array<i32>} : memref<8x2048xf32, #tpu.memory_space<vmem>>, vector<16xf32>,
        %parallel_loop3A_146 = arith.constant 2 : i32
        %parallel_loop3A_147 = vector.broadcast %parallel_loop3A_146 : i32 to vector<16xi32>
        %parallel_loop3A_148 = tpu.vector_load_idx %arg6[%parallel_loop3A_147, %parallel_loop3A_131] : memref<8x4096xf32, #tpu.memory_space<vmem>>[vector<16xi32>, vector<16xi32>], vector<16xf32>,
        %parallel_loop3A_149 = arith.constant 2 : i32
        %parallel_loop3A_150 = arith.index_cast %parallel_loop3A_149 : i32 to index
        %parallel_loop3A_151 = arith.index_cast %parallel_loop3A_127 : i32 to index
        %parallel_loop3A_152 = tpu.vector_load %arg9[%parallel_loop3A_150, %parallel_loop3A_151] {strides = array<i32>} : memref<8x2048xf32, #tpu.memory_space<vmem>>, vector<16xf32>,
        tpu.vector_store %arg9[%parallel_loop3A_150, %parallel_loop3A_151], %parallel_loop3A_148 {strides = array<i32>} : memref<8x2048xf32, #tpu.memory_space<vmem>>, vector<16xf32>,
        %parallel_loop3A_153 = arith.constant 3 : i32
        %parallel_loop3A_154 = vector.broadcast %parallel_loop3A_153 : i32 to vector<16xi32>
        %parallel_loop3A_155 = tpu.vector_load_idx %arg6[%parallel_loop3A_154, %parallel_loop3A_131] : memref<8x4096xf32, #tpu.memory_space<vmem>>[vector<16xi32>, vector<16xi32>], vector<16xf32>,
        %parallel_loop3A_156 = arith.constant 3 : i32
        %parallel_loop3A_157 = arith.index_cast %parallel_loop3A_156 : i32 to index
        %parallel_loop3A_158 = arith.index_cast %parallel_loop3A_127 : i32 to index
        %parallel_loop3A_159 = tpu.vector_load %arg9[%parallel_loop3A_157, %parallel_loop3A_158] {strides = array<i32>} : memref<8x2048xf32, #tpu.memory_space<vmem>>, vector<16xf32>,
        tpu.vector_store %arg9[%parallel_loop3A_157, %parallel_loop3A_158], %parallel_loop3A_155 {strides = array<i32>} : memref<8x2048xf32, #tpu.memory_space<vmem>>, vector<16xf32>,
        %parallel_loop3A_160 = arith.constant 4 : i32
        %parallel_loop3A_161 = vector.broadcast %parallel_loop3A_160 : i32 to vector<16xi32>
        %parallel_loop3A_162 = tpu.vector_load_idx %arg6[%parallel_loop3A_161, %parallel_loop3A_131] : memref<8x4096xf32, #tpu.memory_space<vmem>>[vector<16xi32>, vector<16xi32>], vector<16xf32>,
        %parallel_loop3A_163 = arith.constant 4 : i32
        %parallel_loop3A_164 = arith.index_cast %parallel_loop3A_163 : i32 to index
        %parallel_loop3A_165 = arith.index_cast %parallel_loop3A_127 : i32 to index
        %parallel_loop3A_166 = tpu.vector_load %arg9[%parallel_loop3A_164, %parallel_loop3A_165] {strides = array<i32>} : memref<8x2048xf32, #tpu.memory_space<vmem>>, vector<16xf32>,
        tpu.vector_store %arg9[%parallel_loop3A_164, %parallel_loop3A_165], %parallel_loop3A_162 {strides = array<i32>} : memref<8x2048xf32, #tpu.memory_space<vmem>>, vector<16xf32>,
        %parallel_loop3A_167 = arith.constant 5 : i32
        %parallel_loop3A_168 = vector.broadcast %parallel_loop3A_167 : i32 to vector<16xi32>
        %parallel_loop3A_169 = tpu.vector_load_idx %arg6[%parallel_loop3A_168, %parallel_loop3A_131] : memref<8x4096xf32, #tpu.memory_space<vmem>>[vector<16xi32>, vector<16xi32>], vector<16xf32>,
        %parallel_loop3A_170 = arith.constant 5 : i32
        %parallel_loop3A_171 = arith.index_cast %parallel_loop3A_170 : i32 to index
        %parallel_loop3A_172 = arith.index_cast %parallel_loop3A_127 : i32 to index
        %parallel_loop3A_173 = tpu.vector_load %arg9[%parallel_loop3A_171, %parallel_loop3A_172] {strides = array<i32>} : memref<8x2048xf32, #tpu.memory_space<vmem>>, vector<16xf32>,
        tpu.vector_store %arg9[%parallel_loop3A_171, %parallel_loop3A_172], %parallel_loop3A_169 {strides = array<i32>} : memref<8x2048xf32, #tpu.memory_space<vmem>>, vector<16xf32>,
        %parallel_loop3A_174 = arith.constant 6 : i32
        %parallel_loop3A_175 = vector.broadcast %parallel_loop3A_174 : i32 to vector<16xi32>
        %parallel_loop3A_176 = tpu.vector_load_idx %arg6[%parallel_loop3A_175, %parallel_loop3A_131] : memref<8x4096xf32, #tpu.memory_space<vmem>>[vector<16xi32>, vector<16xi32>], vector<16xf32>,
        %parallel_loop3A_177 = arith.constant 6 : i32
        %parallel_loop3A_178 = arith.index_cast %parallel_loop3A_177 : i32 to index
        %parallel_loop3A_179 = arith.index_cast %parallel_loop3A_127 : i32 to index
        %parallel_loop3A_180 = tpu.vector_load %arg9[%parallel_loop3A_178, %parallel_loop3A_179] {strides = array<i32>} : memref<8x2048xf32, #tpu.memory_space<vmem>>, vector<16xf32>,
        tpu.vector_store %arg9[%parallel_loop3A_178, %parallel_loop3A_179], %parallel_loop3A_176 {strides = array<i32>} : memref<8x2048xf32, #tpu.memory_space<vmem>>, vector<16xf32>,
        %parallel_loop3A_181 = arith.constant 7 : i32
        %parallel_loop3A_182 = vector.broadcast %parallel_loop3A_181 : i32 to vector<16xi32>
        %parallel_loop3A_183 = tpu.vector_load_idx %arg6[%parallel_loop3A_182, %parallel_loop3A_131] : memref<8x4096xf32, #tpu.memory_space<vmem>>[vector<16xi32>, vector<16xi32>], vector<16xf32>,
        %parallel_loop3A_184 = arith.constant 7 : i32
        %parallel_loop3A_185 = arith.index_cast %parallel_loop3A_184 : i32 to index
        %parallel_loop3A_186 = arith.index_cast %parallel_loop3A_127 : i32 to index
        %parallel_loop3A_187 = tpu.vector_load %arg9[%parallel_loop3A_185, %parallel_loop3A_186] {strides = array<i32>} : memref<8x2048xf32, #tpu.memory_space<vmem>>, vector<16xf32>,
        tpu.vector_store %arg9[%parallel_loop3A_185, %parallel_loop3A_186], %parallel_loop3A_183 {strides = array<i32>} : memref<8x2048xf32, #tpu.memory_space<vmem>>, vector<16xf32>,
      } {sc.loop_unroll_factor = 2 : i64, sc.parallel_access}
      %barrier3A_62 = arith.constant 0 : index
      tpu.barrier barrier_id(%barrier3A_62)
      %dma_start3A_63 = arith.constant 2048 : i32
      %dma_start3A_64 = tpu.memref_slice %arg4[%add3A_33, %dma_start3A_63] : memref<8192x4096xf32, #tpu.memory_space<hbm>> -> memref<8x2048xf32, #tpu.memory_space<hbm>>
      %dma_start3A_65 = arith.constant 2048 : i32
      %dma_start3A_66 = tpu.memref_slice %arg4[%add3A_33, %dma_start3A_65] : memref<8192x4096xf32, #tpu.memory_space<hbm>> -> memref<8x2048xf32, #tpu.memory_space<hbm>>
      tpu.enqueue_dma source(%arg9 : memref<8x2048xf32, #tpu.memory_space<vmem>>) target(%dma_start3A_66 : memref<8x2048xf32, #tpu.memory_space<hbm>>) target_semaphore(%arg13 : memref<!tpu.dma_semaphore, #tpu.memory_space<semaphore_mem>>)
      %add3A_67 = arith.constant 2 : i32
      %add3A_68 = arith.addi %add3A_30, %add3A_67 : i32
      %lt3A = arith.constant 32 : i32
      %lt3A_69 = arith.cmpi slt, %add3A_68, %lt3A : i32
      %convert_element_type3A_70 = arith.extui %lt3A_69 : i1 to i32
      %cond3A_71 = arith.constant 0 : i32
      %cond3A_72 = arith.cmpi ne, %convert_element_type3A_70, %cond3A_71 : i32
      scf.if %cond3A_72 {
        %add3A_125 = arith.constant 16 : i32
        %add3A_126 = arith.addi %add3A_33, %add3A_125 : i32
        %dma_start3A_127 = arith.constant 0 : i32
        %dma_start3A_128 = tpu.memref_slice %arg2[%add3A_126, %dma_start3A_127] : memref<8192x4096xf32, #tpu.memory_space<hbm>> -> memref<8x4096xf32, #tpu.memory_space<hbm>>
        %dma_start3A_129 = arith.constant 0 : i32
        %dma_start3A_130 = tpu.memref_slice %arg2[%add3A_126, %dma_start3A_129] : memref<8192x4096xf32, #tpu.memory_space<hbm>> -> memref<8x4096xf32, #tpu.memory_space<hbm>>
        tpu.enqueue_dma source(%dma_start3A_130 : memref<8x4096xf32, #tpu.memory_space<hbm>>) target(%arg6 : memref<8x4096xf32, #tpu.memory_space<vmem>>) target_semaphore(%arg10 : memref<!tpu.dma_semaphore, #tpu.memory_space<semaphore_mem>>)
      } else {
      }
      %mul3A_73 = arith.constant 2 : i32
      %mul3A_74 = arith.muli %scan3A_26, %mul3A_73 : i32
      %add3A_75 = arith.constant 1 : i32
      %add3A_76 = arith.addi %mul3A_74, %add3A_75 : i32
      %mul3A_77 = arith.constant 8 : i32
      %mul3A_78 = arith.muli %add3A_76, %mul3A_77 : i32
      %add3A_79 = arith.addi %mul3A_2, %mul3A_78 : i32
      %dma_wait3A_80 = arith.constant 0 : i32
      %dma_wait3A_81 = tpu.memref_slice %arg2[%add3A_79, %dma_wait3A_80] : memref<8192x4096xf32, #tpu.memory_space<hbm>> -> memref<8x4096xf32, #tpu.memory_space<hbm>>
      %dma_wait3A_82 = arith.constant 0 : i32
      %dma_wait3A_83 = tpu.memref_slice %arg2[%add3A_79, %dma_wait3A_82] : memref<8192x4096xf32, #tpu.memory_space<hbm>> -> memref<8x4096xf32, #tpu.memory_space<hbm>>
      tpu.wait_dma2 semaphore(%arg11 : memref<!tpu.dma_semaphore, #tpu.memory_space<semaphore_mem>>) src(%dma_wait3A_83 : memref<8x4096xf32, #tpu.memory_space<hbm>>) dst(%arg7 : memref<8x4096xf32, #tpu.memory_space<vmem>>)
      %mul3A_84 = arith.constant 2 : i32
      %mul3A_85 = arith.muli %mul3A_84, %add3A_76 : i32
      %add3A_86 = arith.constant 0 : i32
      %add3A_87 = arith.addi %mul3A_85, %add3A_86 : i32
      %ge3A_88 = arith.constant 2 : i32
      %ge3A_89 = arith.cmpi sge, %add3A_87, %ge3A_88 : i32
      %convert_element_type3A_90 = arith.extui %ge3A_89 : i1 to i32
      %cond3A_91 = arith.constant 0 : i32
      %cond3A_92 = arith.cmpi ne, %convert_element_type3A_90, %cond3A_91 : i32
      scf.if %cond3A_92 {
        %dma_wait3A_125 = arith.constant 0 : i32
        %dma_wait3A_126 = tpu.memref_slice %arg4[%add3A_79, %dma_wait3A_125] : memref<8192x4096xf32, #tpu.memory_space<hbm>> -> memref<8x2048xf32, #tpu.memory_space<hbm>>
        %dma_wait3A_127 = arith.constant 0 : i32
        %dma_wait3A_128 = tpu.memref_slice %arg4[%add3A_79, %dma_wait3A_127] : memref<8192x4096xf32, #tpu.memory_space<hbm>> -> memref<8x2048xf32, #tpu.memory_space<hbm>>
        tpu.wait_dma2 semaphore(%arg12 : memref<!tpu.dma_semaphore, #tpu.memory_space<semaphore_mem>>) src(%arg8 : memref<8x2048xf32, #tpu.memory_space<vmem>>) dst(%dma_wait3A_128 : memref<8x2048xf32, #tpu.memory_space<hbm>>)
      } else {
      }
      %parallel_loop3A_93 = arith.constant 0 : i32
      %parallel_loop3A_94 = arith.constant 128 : i32
      %parallel_loop3A_95 = arith.constant 1 : i32
      scf.for %parallel_loop3A_125 = %parallel_loop3A_93 to %parallel_loop3A_94 step %parallel_loop3A_95  : i32 {
        %parallel_loop3A_126 = arith.constant 16 : i32
        %parallel_loop3A_127 = arith.muli %parallel_loop3A_125, %parallel_loop3A_126 : i32
        %parallel_loop3A_128 = arith.constant 0 : i32
        %parallel_loop3A_129 = arith.addi %parallel_loop3A_128, %parallel_loop3A_127 : i32
        %parallel_loop3A_130 = arith.index_cast %parallel_loop3A_129 : i32 to index
        %parallel_loop3A_131 = tpu.vector_load %arg5[%parallel_loop3A_130] {strides = array<i32>} : memref<4096xi32, #tpu.memory_space<vmem>>, vector<16xi32>,
        %parallel_loop3A_132 = arith.constant 0 : i32
        %parallel_loop3A_133 = vector.broadcast %parallel_loop3A_132 : i32 to vector<16xi32>
        %parallel_loop3A_134 = tpu.vector_load_idx %arg7[%parallel_loop3A_133, %parallel_loop3A_131] : memref<8x4096xf32, #tpu.memory_space<vmem>>[vector<16xi32>, vector<16xi32>], vector<16xf32>,
        %parallel_loop3A_135 = arith.constant 0 : i32
        %parallel_loop3A_136 = arith.index_cast %parallel_loop3A_135 : i32 to index
        %parallel_loop3A_137 = arith.index_cast %parallel_loop3A_127 : i32 to index
        %parallel_loop3A_138 = tpu.vector_load %arg8[%parallel_loop3A_136, %parallel_loop3A_137] {strides = array<i32>} : memref<8x2048xf32, #tpu.memory_space<vmem>>, vector<16xf32>,
        tpu.vector_store %arg8[%parallel_loop3A_136, %parallel_loop3A_137], %parallel_loop3A_134 {strides = array<i32>} : memref<8x2048xf32, #tpu.memory_space<vmem>>, vector<16xf32>,
        %parallel_loop3A_139 = arith.constant 1 : i32
        %parallel_loop3A_140 = vector.broadcast %parallel_loop3A_139 : i32 to vector<16xi32>
        %parallel_loop3A_141 = tpu.vector_load_idx %arg7[%parallel_loop3A_140, %parallel_loop3A_131] : memref<8x4096xf32, #tpu.memory_space<vmem>>[vector<16xi32>, vector<16xi32>], vector<16xf32>,
        %parallel_loop3A_142 = arith.constant 1 : i32
        %parallel_loop3A_143 = arith.index_cast %parallel_loop3A_142 : i32 to index
        %parallel_loop3A_144 = arith.index_cast %parallel_loop3A_127 : i32 to index
        %parallel_loop3A_145 = tpu.vector_load %arg8[%parallel_loop3A_143, %parallel_loop3A_144] {strides = array<i32>} : memref<8x2048xf32, #tpu.memory_space<vmem>>, vector<16xf32>,
        tpu.vector_store %arg8[%parallel_loop3A_143, %parallel_loop3A_144], %parallel_loop3A_141 {strides = array<i32>} : memref<8x2048xf32, #tpu.memory_space<vmem>>, vector<16xf32>,
        %parallel_loop3A_146 = arith.constant 2 : i32
        %parallel_loop3A_147 = vector.broadcast %parallel_loop3A_146 : i32 to vector<16xi32>
        %parallel_loop3A_148 = tpu.vector_load_idx %arg7[%parallel_loop3A_147, %parallel_loop3A_131] : memref<8x4096xf32, #tpu.memory_space<vmem>>[vector<16xi32>, vector<16xi32>], vector<16xf32>,
        %parallel_loop3A_149 = arith.constant 2 : i32
        %parallel_loop3A_150 = arith.index_cast %parallel_loop3A_149 : i32 to index
        %parallel_loop3A_151 = arith.index_cast %parallel_loop3A_127 : i32 to index
        %parallel_loop3A_152 = tpu.vector_load %arg8[%parallel_loop3A_150, %parallel_loop3A_151] {strides = array<i32>} : memref<8x2048xf32, #tpu.memory_space<vmem>>, vector<16xf32>,
        tpu.vector_store %arg8[%parallel_loop3A_150, %parallel_loop3A_151], %parallel_loop3A_148 {strides = array<i32>} : memref<8x2048xf32, #tpu.memory_space<vmem>>, vector<16xf32>,
        %parallel_loop3A_153 = arith.constant 3 : i32
        %parallel_loop3A_154 = vector.broadcast %parallel_loop3A_153 : i32 to vector<16xi32>
        %parallel_loop3A_155 = tpu.vector_load_idx %arg7[%parallel_loop3A_154, %parallel_loop3A_131] : memref<8x4096xf32, #tpu.memory_space<vmem>>[vector<16xi32>, vector<16xi32>], vector<16xf32>,
        %parallel_loop3A_156 = arith.constant 3 : i32
        %parallel_loop3A_157 = arith.index_cast %parallel_loop3A_156 : i32 to index
        %parallel_loop3A_158 = arith.index_cast %parallel_loop3A_127 : i32 to index
        %parallel_loop3A_159 = tpu.vector_load %arg8[%parallel_loop3A_157, %parallel_loop3A_158] {strides = array<i32>} : memref<8x2048xf32, #tpu.memory_space<vmem>>, vector<16xf32>,
        tpu.vector_store %arg8[%parallel_loop3A_157, %parallel_loop3A_158], %parallel_loop3A_155 {strides = array<i32>} : memref<8x2048xf32, #tpu.memory_space<vmem>>, vector<16xf32>,
        %parallel_loop3A_160 = arith.constant 4 : i32
        %parallel_loop3A_161 = vector.broadcast %parallel_loop3A_160 : i32 to vector<16xi32>
        %parallel_loop3A_162 = tpu.vector_load_idx %arg7[%parallel_loop3A_161, %parallel_loop3A_131] : memref<8x4096xf32, #tpu.memory_space<vmem>>[vector<16xi32>, vector<16xi32>], vector<16xf32>,
        %parallel_loop3A_163 = arith.constant 4 : i32
        %parallel_loop3A_164 = arith.index_cast %parallel_loop3A_163 : i32 to index
        %parallel_loop3A_165 = arith.index_cast %parallel_loop3A_127 : i32 to index
        %parallel_loop3A_166 = tpu.vector_load %arg8[%parallel_loop3A_164, %parallel_loop3A_165] {strides = array<i32>} : memref<8x2048xf32, #tpu.memory_space<vmem>>, vector<16xf32>,
        tpu.vector_store %arg8[%parallel_loop3A_164, %parallel_loop3A_165], %parallel_loop3A_162 {strides = array<i32>} : memref<8x2048xf32, #tpu.memory_space<vmem>>, vector<16xf32>,
        %parallel_loop3A_167 = arith.constant 5 : i32
        %parallel_loop3A_168 = vector.broadcast %parallel_loop3A_167 : i32 to vector<16xi32>
        %parallel_loop3A_169 = tpu.vector_load_idx %arg7[%parallel_loop3A_168, %parallel_loop3A_131] : memref<8x4096xf32, #tpu.memory_space<vmem>>[vector<16xi32>, vector<16xi32>], vector<16xf32>,
        %parallel_loop3A_170 = arith.constant 5 : i32
        %parallel_loop3A_171 = arith.index_cast %parallel_loop3A_170 : i32 to index
        %parallel_loop3A_172 = arith.index_cast %parallel_loop3A_127 : i32 to index
        %parallel_loop3A_173 = tpu.vector_load %arg8[%parallel_loop3A_171, %parallel_loop3A_172] {strides = array<i32>} : memref<8x2048xf32, #tpu.memory_space<vmem>>, vector<16xf32>,
        tpu.vector_store %arg8[%parallel_loop3A_171, %parallel_loop3A_172], %parallel_loop3A_169 {strides = array<i32>} : memref<8x2048xf32, #tpu.memory_space<vmem>>, vector<16xf32>,
        %parallel_loop3A_174 = arith.constant 6 : i32
        %parallel_loop3A_175 = vector.broadcast %parallel_loop3A_174 : i32 to vector<16xi32>
        %parallel_loop3A_176 = tpu.vector_load_idx %arg7[%parallel_loop3A_175, %parallel_loop3A_131] : memref<8x4096xf32, #tpu.memory_space<vmem>>[vector<16xi32>, vector<16xi32>], vector<16xf32>,
        %parallel_loop3A_177 = arith.constant 6 : i32
        %parallel_loop3A_178 = arith.index_cast %parallel_loop3A_177 : i32 to index
        %parallel_loop3A_179 = arith.index_cast %parallel_loop3A_127 : i32 to index
        %parallel_loop3A_180 = tpu.vector_load %arg8[%parallel_loop3A_178, %parallel_loop3A_179] {strides = array<i32>} : memref<8x2048xf32, #tpu.memory_space<vmem>>, vector<16xf32>,
        tpu.vector_store %arg8[%parallel_loop3A_178, %parallel_loop3A_179], %parallel_loop3A_176 {strides = array<i32>} : memref<8x2048xf32, #tpu.memory_space<vmem>>, vector<16xf32>,
        %parallel_loop3A_181 = arith.constant 7 : i32
        %parallel_loop3A_182 = vector.broadcast %parallel_loop3A_181 : i32 to vector<16xi32>
        %parallel_loop3A_183 = tpu.vector_load_idx %arg7[%parallel_loop3A_182, %parallel_loop3A_131] : memref<8x4096xf32, #tpu.memory_space<vmem>>[vector<16xi32>, vector<16xi32>], vector<16xf32>,
        %parallel_loop3A_184 = arith.constant 7 : i32
        %parallel_loop3A_185 = arith.index_cast %parallel_loop3A_184 : i32 to index
        %parallel_loop3A_186 = arith.index_cast %parallel_loop3A_127 : i32 to index
        %parallel_loop3A_187 = tpu.vector_load %arg8[%parallel_loop3A_185, %parallel_loop3A_186] {strides = array<i32>} : memref<8x2048xf32, #tpu.memory_space<vmem>>, vector<16xf32>,
        tpu.vector_store %arg8[%parallel_loop3A_185, %parallel_loop3A_186], %parallel_loop3A_183 {strides = array<i32>} : memref<8x2048xf32, #tpu.memory_space<vmem>>, vector<16xf32>,
      } {sc.loop_unroll_factor = 2 : i64, sc.parallel_access}
      %barrier3A_96 = arith.constant 0 : index
      tpu.barrier barrier_id(%barrier3A_96)
      %dma_start3A_97 = arith.constant 0 : i32
      %dma_start3A_98 = tpu.memref_slice %arg4[%add3A_79, %dma_start3A_97] : memref<8192x4096xf32, #tpu.memory_space<hbm>> -> memref<8x2048xf32, #tpu.memory_space<hbm>>
      %dma_start3A_99 = arith.constant 0 : i32
      %dma_start3A_100 = tpu.memref_slice %arg4[%add3A_79, %dma_start3A_99] : memref<8192x4096xf32, #tpu.memory_space<hbm>> -> memref<8x2048xf32, #tpu.memory_space<hbm>>
      tpu.enqueue_dma source(%arg8 : memref<8x2048xf32, #tpu.memory_space<vmem>>) target(%dma_start3A_100 : memref<8x2048xf32, #tpu.memory_space<hbm>>) target_semaphore(%arg12 : memref<!tpu.dma_semaphore, #tpu.memory_space<semaphore_mem>>)
      %mul3A_101 = arith.constant 2 : i32
      %mul3A_102 = arith.muli %mul3A_101, %add3A_76 : i32
      %add3A_103 = arith.constant 1 : i32
      %add3A_104 = arith.addi %mul3A_102, %add3A_103 : i32
      %ge3A_105 = arith.constant 2 : i32
      %ge3A_106 = arith.cmpi sge, %add3A_104, %ge3A_105 : i32
      %convert_element_type3A_107 = arith.extui %ge3A_106 : i1 to i32
      %cond3A_108 = arith.constant 0 : i32
      %cond3A_109 = arith.cmpi ne, %convert_element_type3A_107, %cond3A_108 : i32
      scf.if %cond3A_109 {
        %dma_wait3A_125 = arith.constant 2048 : i32
        %dma_wait3A_126 = tpu.memref_slice %arg4[%add3A_79, %dma_wait3A_125] : memref<8192x4096xf32, #tpu.memory_space<hbm>> -> memref<8x2048xf32, #tpu.memory_space<hbm>>
        %dma_wait3A_127 = arith.constant 2048 : i32
        %dma_wait3A_128 = tpu.memref_slice %arg4[%add3A_79, %dma_wait3A_127] : memref<8192x4096xf32, #tpu.memory_space<hbm>> -> memref<8x2048xf32, #tpu.memory_space<hbm>>
        tpu.wait_dma2 semaphore(%arg13 : memref<!tpu.dma_semaphore, #tpu.memory_space<semaphore_mem>>) src(%arg9 : memref<8x2048xf32, #tpu.memory_space<vmem>>) dst(%dma_wait3A_128 : memref<8x2048xf32, #tpu.memory_space<hbm>>)
      } else {
      }
      %parallel_loop3A_110 = arith.constant 0 : i32
      %parallel_loop3A_111 = arith.constant 128 : i32
      %parallel_loop3A_112 = arith.constant 1 : i32
      scf.for %parallel_loop3A_125 = %parallel_loop3A_110 to %parallel_loop3A_111 step %parallel_loop3A_112  : i32 {
        %parallel_loop3A_126 = arith.constant 16 : i32
        %parallel_loop3A_127 = arith.muli %parallel_loop3A_125, %parallel_loop3A_126 : i32
        %parallel_loop3A_128 = arith.constant 2048 : i32
        %parallel_loop3A_129 = arith.addi %parallel_loop3A_128, %parallel_loop3A_127 : i32
        %parallel_loop3A_130 = arith.index_cast %parallel_loop3A_129 : i32 to index
        %parallel_loop3A_131 = tpu.vector_load %arg5[%parallel_loop3A_130] {strides = array<i32>} : memref<4096xi32, #tpu.memory_space<vmem>>, vector<16xi32>,
        %parallel_loop3A_132 = arith.constant 0 : i32
        %parallel_loop3A_133 = vector.broadcast %parallel_loop3A_132 : i32 to vector<16xi32>
        %parallel_loop3A_134 = tpu.vector_load_idx %arg7[%parallel_loop3A_133, %parallel_loop3A_131] : memref<8x4096xf32, #tpu.memory_space<vmem>>[vector<16xi32>, vector<16xi32>], vector<16xf32>,
        %parallel_loop3A_135 = arith.constant 0 : i32
        %parallel_loop3A_136 = arith.index_cast %parallel_loop3A_135 : i32 to index
        %parallel_loop3A_137 = arith.index_cast %parallel_loop3A_127 : i32 to index
        %parallel_loop3A_138 = tpu.vector_load %arg9[%parallel_loop3A_136, %parallel_loop3A_137] {strides = array<i32>} : memref<8x2048xf32, #tpu.memory_space<vmem>>, vector<16xf32>,
        tpu.vector_store %arg9[%parallel_loop3A_136, %parallel_loop3A_137], %parallel_loop3A_134 {strides = array<i32>} : memref<8x2048xf32, #tpu.memory_space<vmem>>, vector<16xf32>,
        %parallel_loop3A_139 = arith.constant 1 : i32
        %parallel_loop3A_140 = vector.broadcast %parallel_loop3A_139 : i32 to vector<16xi32>
        %parallel_loop3A_141 = tpu.vector_load_idx %arg7[%parallel_loop3A_140, %parallel_loop3A_131] : memref<8x4096xf32, #tpu.memory_space<vmem>>[vector<16xi32>, vector<16xi32>], vector<16xf32>,
        %parallel_loop3A_142 = arith.constant 1 : i32
        %parallel_loop3A_143 = arith.index_cast %parallel_loop3A_142 : i32 to index
        %parallel_loop3A_144 = arith.index_cast %parallel_loop3A_127 : i32 to index
        %parallel_loop3A_145 = tpu.vector_load %arg9[%parallel_loop3A_143, %parallel_loop3A_144] {strides = array<i32>} : memref<8x2048xf32, #tpu.memory_space<vmem>>, vector<16xf32>,
        tpu.vector_store %arg9[%parallel_loop3A_143, %parallel_loop3A_144], %parallel_loop3A_141 {strides = array<i32>} : memref<8x2048xf32, #tpu.memory_space<vmem>>, vector<16xf32>,
        %parallel_loop3A_146 = arith.constant 2 : i32
        %parallel_loop3A_147 = vector.broadcast %parallel_loop3A_146 : i32 to vector<16xi32>
        %parallel_loop3A_148 = tpu.vector_load_idx %arg7[%parallel_loop3A_147, %parallel_loop3A_131] : memref<8x4096xf32, #tpu.memory_space<vmem>>[vector<16xi32>, vector<16xi32>], vector<16xf32>,
        %parallel_loop3A_149 = arith.constant 2 : i32
        %parallel_loop3A_150 = arith.index_cast %parallel_loop3A_149 : i32 to index
        %parallel_loop3A_151 = arith.index_cast %parallel_loop3A_127 : i32 to index
        %parallel_loop3A_152 = tpu.vector_load %arg9[%parallel_loop3A_150, %parallel_loop3A_151] {strides = array<i32>} : memref<8x2048xf32, #tpu.memory_space<vmem>>, vector<16xf32>,
        tpu.vector_store %arg9[%parallel_loop3A_150, %parallel_loop3A_151], %parallel_loop3A_148 {strides = array<i32>} : memref<8x2048xf32, #tpu.memory_space<vmem>>, vector<16xf32>,
        %parallel_loop3A_153 = arith.constant 3 : i32
        %parallel_loop3A_154 = vector.broadcast %parallel_loop3A_153 : i32 to vector<16xi32>
        %parallel_loop3A_155 = tpu.vector_load_idx %arg7[%parallel_loop3A_154, %parallel_loop3A_131] : memref<8x4096xf32, #tpu.memory_space<vmem>>[vector<16xi32>, vector<16xi32>], vector<16xf32>,
        %parallel_loop3A_156 = arith.constant 3 : i32
        %parallel_loop3A_157 = arith.index_cast %parallel_loop3A_156 : i32 to index
        %parallel_loop3A_158 = arith.index_cast %parallel_loop3A_127 : i32 to index
        %parallel_loop3A_159 = tpu.vector_load %arg9[%parallel_loop3A_157, %parallel_loop3A_158] {strides = array<i32>} : memref<8x2048xf32, #tpu.memory_space<vmem>>, vector<16xf32>,
        tpu.vector_store %arg9[%parallel_loop3A_157, %parallel_loop3A_158], %parallel_loop3A_155 {strides = array<i32>} : memref<8x2048xf32, #tpu.memory_space<vmem>>, vector<16xf32>,
        %parallel_loop3A_160 = arith.constant 4 : i32
        %parallel_loop3A_161 = vector.broadcast %parallel_loop3A_160 : i32 to vector<16xi32>
        %parallel_loop3A_162 = tpu.vector_load_idx %arg7[%parallel_loop3A_161, %parallel_loop3A_131] : memref<8x4096xf32, #tpu.memory_space<vmem>>[vector<16xi32>, vector<16xi32>], vector<16xf32>,
        %parallel_loop3A_163 = arith.constant 4 : i32
        %parallel_loop3A_164 = arith.index_cast %parallel_loop3A_163 : i32 to index
        %parallel_loop3A_165 = arith.index_cast %parallel_loop3A_127 : i32 to index
        %parallel_loop3A_166 = tpu.vector_load %arg9[%parallel_loop3A_164, %parallel_loop3A_165] {strides = array<i32>} : memref<8x2048xf32, #tpu.memory_space<vmem>>, vector<16xf32>,
        tpu.vector_store %arg9[%parallel_loop3A_164, %parallel_loop3A_165], %parallel_loop3A_162 {strides = array<i32>} : memref<8x2048xf32, #tpu.memory_space<vmem>>, vector<16xf32>,
        %parallel_loop3A_167 = arith.constant 5 : i32
        %parallel_loop3A_168 = vector.broadcast %parallel_loop3A_167 : i32 to vector<16xi32>
        %parallel_loop3A_169 = tpu.vector_load_idx %arg7[%parallel_loop3A_168, %parallel_loop3A_131] : memref<8x4096xf32, #tpu.memory_space<vmem>>[vector<16xi32>, vector<16xi32>], vector<16xf32>,
        %parallel_loop3A_170 = arith.constant 5 : i32
        %parallel_loop3A_171 = arith.index_cast %parallel_loop3A_170 : i32 to index
        %parallel_loop3A_172 = arith.index_cast %parallel_loop3A_127 : i32 to index
        %parallel_loop3A_173 = tpu.vector_load %arg9[%parallel_loop3A_171, %parallel_loop3A_172] {strides = array<i32>} : memref<8x2048xf32, #tpu.memory_space<vmem>>, vector<16xf32>,
        tpu.vector_store %arg9[%parallel_loop3A_171, %parallel_loop3A_172], %parallel_loop3A_169 {strides = array<i32>} : memref<8x2048xf32, #tpu.memory_space<vmem>>, vector<16xf32>,
        %parallel_loop3A_174 = arith.constant 6 : i32
        %parallel_loop3A_175 = vector.broadcast %parallel_loop3A_174 : i32 to vector<16xi32>
        %parallel_loop3A_176 = tpu.vector_load_idx %arg7[%parallel_loop3A_175, %parallel_loop3A_131] : memref<8x4096xf32, #tpu.memory_space<vmem>>[vector<16xi32>, vector<16xi32>], vector<16xf32>,
        %parallel_loop3A_177 = arith.constant 6 : i32
        %parallel_loop3A_178 = arith.index_cast %parallel_loop3A_177 : i32 to index
        %parallel_loop3A_179 = arith.index_cast %parallel_loop3A_127 : i32 to index
        %parallel_loop3A_180 = tpu.vector_load %arg9[%parallel_loop3A_178, %parallel_loop3A_179] {strides = array<i32>} : memref<8x2048xf32, #tpu.memory_space<vmem>>, vector<16xf32>,
        tpu.vector_store %arg9[%parallel_loop3A_178, %parallel_loop3A_179], %parallel_loop3A_176 {strides = array<i32>} : memref<8x2048xf32, #tpu.memory_space<vmem>>, vector<16xf32>,
        %parallel_loop3A_181 = arith.constant 7 : i32
        %parallel_loop3A_182 = vector.broadcast %parallel_loop3A_181 : i32 to vector<16xi32>
        %parallel_loop3A_183 = tpu.vector_load_idx %arg7[%parallel_loop3A_182, %parallel_loop3A_131] : memref<8x4096xf32, #tpu.memory_space<vmem>>[vector<16xi32>, vector<16xi32>], vector<16xf32>,
        %parallel_loop3A_184 = arith.constant 7 : i32
        %parallel_loop3A_185 = arith.index_cast %parallel_loop3A_184 : i32 to index
        %parallel_loop3A_186 = arith.index_cast %parallel_loop3A_127 : i32 to index
        %parallel_loop3A_187 = tpu.vector_load %arg9[%parallel_loop3A_185, %parallel_loop3A_186] {strides = array<i32>} : memref<8x2048xf32, #tpu.memory_space<vmem>>, vector<16xf32>,
        tpu.vector_store %arg9[%parallel_loop3A_185, %parallel_loop3A_186], %parallel_loop3A_183 {strides = array<i32>} : memref<8x2048xf32, #tpu.memory_space<vmem>>, vector<16xf32>,
      } {sc.loop_unroll_factor = 2 : i64, sc.parallel_access}
      %barrier3A_113 = arith.constant 0 : index
      tpu.barrier barrier_id(%barrier3A_113)
      %dma_start3A_114 = arith.constant 2048 : i32
      %dma_start3A_115 = tpu.memref_slice %arg4[%add3A_79, %dma_start3A_114] : memref<8192x4096xf32, #tpu.memory_space<hbm>> -> memref<8x2048xf32, #tpu.memory_space<hbm>>
      %dma_start3A_116 = arith.constant 2048 : i32
      %dma_start3A_117 = tpu.memref_slice %arg4[%add3A_79, %dma_start3A_116] : memref<8192x4096xf32, #tpu.memory_space<hbm>> -> memref<8x2048xf32, #tpu.memory_space<hbm>>
      tpu.enqueue_dma source(%arg9 : memref<8x2048xf32, #tpu.memory_space<vmem>>) target(%dma_start3A_117 : memref<8x2048xf32, #tpu.memory_space<hbm>>) target_semaphore(%arg13 : memref<!tpu.dma_semaphore, #tpu.memory_space<semaphore_mem>>)
      %add3A_118 = arith.constant 2 : i32
      %add3A_119 = arith.addi %add3A_76, %add3A_118 : i32
      %lt3A_120 = arith.constant 32 : i32
      %lt3A_121 = arith.cmpi slt, %add3A_119, %lt3A_120 : i32
      %convert_element_type3A_122 = arith.extui %lt3A_121 : i1 to i32
      %cond3A_123 = arith.constant 0 : i32
      %cond3A_124 = arith.cmpi ne, %convert_element_type3A_122, %cond3A_123 : i32
      scf.if %cond3A_124 {
        %add3A_125 = arith.constant 16 : i32
        %add3A_126 = arith.addi %add3A_79, %add3A_125 : i32
        %dma_start3A_127 = arith.constant 0 : i32
        %dma_start3A_128 = tpu.memref_slice %arg2[%add3A_126, %dma_start3A_127] : memref<8192x4096xf32, #tpu.memory_space<hbm>> -> memref<8x4096xf32, #tpu.memory_space<hbm>>
        %dma_start3A_129 = arith.constant 0 : i32
        %dma_start3A_130 = tpu.memref_slice %arg2[%add3A_126, %dma_start3A_129] : memref<8192x4096xf32, #tpu.memory_space<hbm>> -> memref<8x4096xf32, #tpu.memory_space<hbm>>
        tpu.enqueue_dma source(%dma_start3A_130 : memref<8x4096xf32, #tpu.memory_space<hbm>>) target(%arg7 : memref<8x4096xf32, #tpu.memory_space<vmem>>) target_semaphore(%arg11 : memref<!tpu.dma_semaphore, #tpu.memory_space<semaphore_mem>>)
      } else {
      }
    }
    %scan3A_18 = arith.constant 16 : i32
    %dma_wait3A = arith.constant 0 : i32
    %dma_wait3A_19 = tpu.memref_slice %arg4[%mul3A_2, %dma_wait3A] : memref<8192x4096xf32, #tpu.memory_space<hbm>> -> memref<8x2048xf32, #tpu.memory_space<hbm>>
    %dma_wait3A_20 = arith.constant 0 : i32
    %dma_wait3A_21 = tpu.memref_slice %arg4[%mul3A_2, %dma_wait3A_20] : memref<8192x4096xf32, #tpu.memory_space<hbm>> -> memref<8x2048xf32, #tpu.memory_space<hbm>>
    tpu.wait_dma2 semaphore(%arg12 : memref<!tpu.dma_semaphore, #tpu.memory_space<semaphore_mem>>) src(%arg8 : memref<8x2048xf32, #tpu.memory_space<vmem>>) dst(%dma_wait3A_21 : memref<8x2048xf32, #tpu.memory_space<hbm>>)
    %dma_wait3A_22 = arith.constant 2048 : i32
    %dma_wait3A_23 = tpu.memref_slice %arg4[%mul3A_2, %dma_wait3A_22] : memref<8192x4096xf32, #tpu.memory_space<hbm>> -> memref<8x2048xf32, #tpu.memory_space<hbm>>
    %dma_wait3A_24 = arith.constant 2048 : i32
    %dma_wait3A_25 = tpu.memref_slice %arg4[%mul3A_2, %dma_wait3A_24] : memref<8192x4096xf32, #tpu.memory_space<hbm>> -> memref<8x2048xf32, #tpu.memory_space<hbm>>
    tpu.wait_dma2 semaphore(%arg13 : memref<!tpu.dma_semaphore, #tpu.memory_space<semaphore_mem>>) src(%arg9 : memref<8x2048xf32, #tpu.memory_space<vmem>>) dst(%dma_wait3A_25 : memref<8x2048xf32, #tpu.memory_space<hbm>>)
    return
  }
}

</mosaic_0001>

<sc_bundles>
// kernel: kernel.3.cloned.1.call-start
scs
__scs_entry_jumppad:
0x0: {  	(pc) =	sbr.rel $0x88, $3  }
0x1: {  	(tag) =	ssettag $0x0;
	lr =	simm.s32 $0x1  }
0x2: {  	[smem:$0x3F9F] =	sst lr;
	_ =	strace $0xD0000000  }
0x3: {  	_ = 	snop  }
0x4: {  	_ = 	snop  }
0x5: {  	_ = 	snop  }
0x6: {  	_ = 	snop  }
0x7: {  	_ = 	snop  }
__scs_overlays_trampoline_lowered:
0x8: {  	[smem:$0x3FAE] =	sst s0  }
0x9: {  	[smem:$0x3FAF] =	sst s1  }
0xa: {  	[smem:$0x3FB0] =	sst s2  }
0xb: {  	[smem:$0x3FB1] =	sst s3  }
0xc: {  	[smem:$0x3FB2] =	sst s4  }
0xd: {  	[smem:$0x3FB3] =	sst s5  }
0xe: {  	[smem:$0x3FB4] =	sst s6  }
0xf: {  	[smem:$0x3FB5] =	sst s7  }
0x10: {  	[smem:$0x3FB6] =	sst s8  }
0x11: {  	[smem:$0x3FB7] =	sst s9;
	s0 =	simm.s32 @!p0 $0x0  }
0x12: {  	s1 =	sld [smem:$0x3F9D];
	s0 =	simm.s32 @p0 $0x1  }
0x13: {  	[smem:$0x3FB8] =	sst s0;
	s0 =	simm.s32 @!p1 $0x0  }
0x14: {  	s2 =	sld [smem:$0x3F9C];
	s0 =	simm.s32 @p1 $0x1  }
0x15: {  	[smem:$0x3FB9] =	sst s0;
	s0 =	simm.s32 @!p2 $0x0  }
0x16: {  	s3 =	sld [smem:$0x3FDB];
	s0 =	simm.s32 @p2 $0x1  }
0x17: {  	s4 =	simm.s32 $0x1BF5;
	[smem:$0x3FBB] =	sst s0  }
0x18: {  	s0 =	sld [smem:$0x3F9E];
	_ =	swait.ge [sflag:s4], $0x0  }
0x19: {  	s7 =	sld [smem:$0x3F9F]  }
0x1a: {  	s8 =	sadd.s32 $0xFFFFE003, lr  }
0x1b: {  	s9 =	sadd.s32 $0xFFFFFEF7, lr;
	s5 =	simm.s32 $0xFFFFFFFF;
	p2 =	slt.u32 s8, $0xFFFFF086  }
0x1c: {  	p1 =	slt.u32 s9, $0xF7A;
	s5 =	simm.s32 @!p2 $0x0  }
0x1d: {  	s5 =	simm.s32 @p1 $0x1;
	p0 =	seq.s32 s7, s2  }
0x1e: {  	s7 =	smul.u32 @!p0 $0xF7A, s2;
	p2 =	seq.s32 @!p0 s5, $0x0  }
0x1f: {  	s9 =	smul.u32 $0xF7A, s1;
	s8 =	simm.s32 @!p0 $0x1BF5;
	p2 =	por !p2, p0  }
0x20: {  	[sflag:s8] =	ssyncset.s32 @!p0 $0xFFFFF086;
	s6 =	sadd.s32 @!p0 s3, s7;
	s7 =	simm.s32 @!p0 $0x108  }
0x21: {  	s3 =	sadd.s32 s3, s9;
	s6 =	sadd.s32 @!p0 $0x88, s6;
	s7 =	simm.s32 @p2 $0x1082  }
0x22: {  	[simem:s7], [sflag:s8] =	dma.local @!p0 [hbm:s6], $0xF7A  }
0x23: {  	s9 =	sor.u32 $0xD0000000, s2;
	s6 =	simm.s32 $0x108;
	_ =	swait.ge @!p0 [sflag:s8], $0x0  }
0x24: {  	s3 =	sadd.s32 $0x88, s3;
	s6 =	simm.s32 @!p1 $0x1082;
	[sflag:s4] =	ssyncset.s32 $0xFFFFF086  }
0x25: {  	[simem:s6], [sflag:s4] =	dma.local [hbm:s3], $0xF7A  }
0x26: {  	[smem:$0x3F9F] =	sst s1;
	(tag) =	ssettag s2;
	_ =	strace s9  }
0x27: {  	s1 =	sld [smem:$0x3FAF]  }
0x28: {  	s2 =	sld [smem:$0x3FB0]  }
0x29: {  	s4 =	sld [smem:$0x3FB2]  }
0x2a: {  	p0 =	seq.s32 s5, $0x0;
	s5 =	sld [smem:$0x3FB3]  }
0x2b: {  	s6 =	sld [smem:$0x3FB4]  }
0x2c: {  	s7 =	sld [smem:$0x3FB5]  }
0x2d: {  	s3 =	simm.s32 $0x108;
	s8 =	sld [smem:$0x3FB6]  }
0x2e: {  	s3 =	simm.s32 @!p0 $0x1082;
	s9 =	sld [smem:$0x3FB7]  }
0x2f: {  	lr =	sadd.s32 s0, s3;
	s0 =	sld [smem:$0x3FAE]  }
0x30: {  	s3 =	sld [smem:$0x3FB1]  }
0x31: {  	[smem:$0x3FBA] =	sst s10  }
0x32: {  	s10 =	sld [smem:$0x3FB8];
	_ =	sdelay $0x3  }
0x33: {  	p0 =	seq.s32 s10, $0x1;
	s10 =	sld [smem:$0x3FBA];
	_ =	sdelay $0x3  }
0x34: {  	[smem:$0x3FBA] =	sst s10  }
0x35: {  	s10 =	sld [smem:$0x3FB9];
	_ =	sdelay $0x3  }
0x36: {  	p1 =	seq.s32 s10, $0x1;
	s10 =	sld [smem:$0x3FBA];
	_ =	sdelay $0x3  }
0x37: {  	[smem:$0x3FBA] =	sst s10  }
0x38: {  	s10 =	sld [smem:$0x3FBB]  }
0x39: {  	_ = 	snop;
	(pc) =	sbr.ind lr, $3  }
0x3a: {  	_ = 	snop  }
0x3b: {  	_ = 	snop  }
0x3c: {  	p2 =	seq.s32 s10, $0x1;
	s10 =	sld [smem:$0x3FBA]  }
0x3d: {  	_ =	shalt  }
0x3e: {  	_ =	shalt  }
0x3f: {  	_ =	shalt  }
0x40: {  	_ =	shalt  }
0x41: {  	_ =	shalt  }
0x42: {  	_ =	shalt  }
0x43: {  	_ =	shalt  }
0x44: {  	_ =	shalt  }
0x45: {  	_ =	shalt  }
0x46: {  	_ =	shalt  }
0x47: {  	_ =	shalt  }
0x48: {  	_ =	shalt  }
0x49: {  	_ =	shalt  }
0x4a: {  	_ =	shalt  }
0x4b: {  	_ =	shalt  }
0x4c: {  	_ =	shalt  }
0x4d: {  	_ =	shalt  }
0x4e: {  	_ =	shalt  }
0x4f: {  	_ =	shalt  }
0x50: {  	_ =	shalt  }
0x51: {  	_ =	shalt  }
0x52: {  	_ =	shalt  }
0x53: {  	_ =	shalt  }
0x54: {  	_ =	shalt  }
0x55: {  	_ =	shalt  }
0x56: {  	_ =	shalt  }
0x57: {  	_ =	shalt  }
0x58: {  	_ =	shalt  }
0x59: {  	_ =	shalt  }
0x5a: {  	_ =	shalt  }
0x5b: {  	_ =	shalt  }
0x5c: {  	_ =	shalt  }
0x5d: {  	_ =	shalt  }
0x5e: {  	_ =	shalt  }
0x5f: {  	_ =	shalt  }
0x60: {  	_ =	shalt  }
0x61: {  	_ =	shalt  }
0x62: {  	_ =	shalt  }
0x63: {  	_ =	shalt  }
0x64: {  	_ =	shalt  }
0x65: {  	_ =	shalt  }
0x66: {  	_ =	shalt  }
0x67: {  	_ =	shalt  }
0x68: {  	_ =	shalt  }
0x69: {  	_ =	shalt  }
0x6a: {  	_ =	shalt  }
0x6b: {  	_ =	shalt  }
0x6c: {  	_ =	shalt  }
0x6d: {  	_ =	shalt  }
0x6e: {  	_ =	shalt  }
0x6f: {  	_ =	shalt  }
0x70: {  	_ =	shalt  }
0x71: {  	_ =	shalt  }
0x72: {  	_ =	shalt  }
0x73: {  	_ =	shalt  }
0x74: {  	_ =	shalt  }
0x75: {  	_ =	shalt  }
0x76: {  	_ =	shalt  }
0x77: {  	_ =	shalt  }
0x78: {  	_ =	shalt  }
0x79: {  	_ =	shalt  }
0x7a: {  	_ =	shalt  }
0x7b: {  	_ =	shalt  }
0x7c: {  	_ =	shalt  }
0x7d: {  	_ =	shalt  }
0x7e: {  	_ =	shalt  }
0x7f: {  	_ =	shalt  }
0x80: {  	_ =	shalt  }
0x81: {  	_ =	shalt  }
0x82: {  	_ =	shalt  }
0x83: {  	_ =	shalt  }
0x84: {  	_ =	shalt  }
0x85: {  	_ =	shalt  }
0x86: {  	_ =	shalt  }
0x87: {  	_ =	shalt  }
.Lfunc_end0:
.L_simem_size_0:
called_computation_lowered:
.L_overlay_start_0:
0x88: {  	s2 =	sld [smem:$0x3FD9]  }
0x89: {  	s3 =	sld [smem:$0x3FFE];
	_ =	sdelay $0x1  }
0x8a: {  	s1 =	srdreg.scid  }
0x8b: {  	s0 =	sand.u32 $0x1, s1  }
0x8c: {  	s18 =	sshll.u32 s0, $0xA;
	s2 =	sadd.s32 s3, s2  }
0x8d: {  	s2 =	sadd.s32 s2, s18  }
0x8e: {  	[smem:$0x3FC6] =	sst s2  }
0x8f: {  	_ = 	snop  }
0x90: {  	s2 =	sld [smem:$0x3FC9]  }
0x91: {  	s19 =	sld [smem:$0x3FC8]  }
0x92: {  	s4 =	sld [smem:$0x3FD0];
	(tm) =	ssettm $0x1  }
0x93: {  	s5 =	sld [smem:$0x3FFB];
	_ =	sdelay $0x3  }
0x94: {  	_ =	strace s5  }
0x95: {  	s5 =	sld [smem:$0x3FFC];
	_ =	sdelay $0x3  }
0x96: {  	_ =	strace s5  }
0x97: {  	s5 =	sld [smem:$0x3FFD];
	_ =	sdelay $0x3  }
0x98: {  	_ =	strace s5  }
0x99: {  	_ =	strace $0x8FFFFFFF  }
0x9a: {  	s20 =	sld [smem:$0x3FDB];
	_ =	sdelay $0x1  }
0x9b: {  	s6 =	simm.s32 $_scs_section_size  }
0x9c: {  	s7 =	simm.s32 $_size__tile_overlayer_lowered;
	s8 =	simm.s32 $_tile_overlayer_lowered  }
0x9d: {  	s23 =	simm.s32 $0x1BFF;
	s22 =	sshll.u32 s8, $0x1;
	s5 =	sadd.s32 s6, s20  }
0x9e: {  	s9 =	simm.s32 $0x0;
	s21 =	sshll.u32 s7, $0x1;
	s7 =	sadd.s32 s22, s5  }
0x9f: {  	[timem:s9], [sflag:s23] =	dma.local [hbm:s7], s21  }
0xa0: {  	_ =	swait.ge [sflag:s23], s21  }
0xa1: {  	s6 =	ssub.s32 $0x0, s21;
	[sflag:s23] =	ssyncset.done $0x0  }
0xa2: {  	[sflag:s23] =	ssyncadd.s32 s6;
	_ =	sdelay $0x1  }
0xa3: {  	s24 =	simm.s32 $0x1B8B  }
0xa4: {  	_ =	swait.ge [sflag:s24], $0x1  }
0xa5: {  	[sflag:s24] =	ssyncset.done $0x0  }
0xa6: {  	s25 =	simm.s32 $0x1B8E;
	[sflag:s24] =	ssyncadd.s32 $0xFFFFFFFF  }
0xa7: {  	s26 =	simm.s32 $execute0_lowered;
	[smem:$0x3FD2] =	sst s25  }
0xa8: {  	s6 =	sshll.u32 s26, $0x1;
	_ =	strace $0x80000046;
	[dreg:$0x1] =	wrdreg $0xFFFFFFFF  }
0xa9: {  	s28 =	simm.s32 $_size_execute0_lowered;
	s5 =	sadd.s32 s5, s6;
	[dreg:$0x0] =	wrdreg $0x0  }
0xaa: {  	s6 =	sshll.u32 s28, $0x1;
	[dreg:$0x2] =	wrdreg s5  }
0xab: {  	[dreg:$0x3] =	wrdreg s6  }
0xac: {  	[dreg:$0x4] =	wrdreg $0xC0  }
0xad: {  	_ =	task [dreg:s9], $0x5FFFF  }
0xae: {  	[dreg:$0x1] =	wrdreg $0xFFFFFFFF  }
0xaf: {  	[dreg:$0x0] =	wrdreg $0x60  }
0xb0: {  	[dreg:$0x2] =	wrdreg s2  }
0xb1: {  	[dreg:$0x3] =	wrdreg s19  }
0xb2: {  	[dreg:$0x4] =	wrdreg s4  }
0xb3: {  	[dreg:$0x5] =	wrdreg $0x9  }
0xb4: {  	_ =	task.clear_ibuf [dreg:s9], $0x6FFFF;
	_ =	strace $0x90000046  }
0xb5: {  	s29 =	simm.s32 $0x9;
	_ =	strace $0x80000048  }
0xb6: {  	_ =	swait.ge [sflag:s29], $0x1  }
0xb7: {  	[sflag:s29] =	ssyncadd.s32 $0xFFFFFFFF  }
0xb8: {  	_ =	strace $0x90000048  }
0xb9: {  	_ =	sfence  }
0xba: {  	s30 =	sld [smem:$0x0];
	_ =	sdelay $0x2  }
0xbb: {  	s31 =	sshll.u32 s1, $0xD;
	s1 =	sshrl.u32 s1, $0x2  }
0xbc: {  	s3 =	sand.u32 $0x4000, s31;
	s1 =	sadd.s32 s1, s30  }
0xbd: {  	s0 =	sor.u32 s3, s0;
	s1 =	sshll.u32 s1, $0x11  }
0xbe: {  	s0 =	sor.u32 s1, s0  }
0xbf: {  	s0 =	sadd.s32 $0x8F2B, s0  }
0xc0: {  	[sflag:s0] =	ssyncadd.remote.s32 $0x1  }
0xc1: {  	_ =	sfence.sel $0xFFFF  }
0xc2: {  	[dreg:$0x0] =	wrdreg $0xFFFFFFFF;
	(pc) =	sbr.abs _section_cstart, $3  }
0xc3: {  	[dreg:$0x1] =	wrdreg $0xFFFFFFFF  }
0xc4: {  	_ =	task.clear_ibuf [dreg:s9], $0x2FFFF;
	_ =	strace $0x9FFFFFFF  }
0xc5: {  	(tm) =	ssettm $0x7FFFFFFF  }
tec
execute0_lowered:
.L_overlay_start_1:
0x0: {  	(tag) =	ssettag $0x1  }
0x1: {  	s0 =	rddreg [dreg:$0x0]  }
0x2: {  	s5 =	rddreg [dreg:$0x2]  }
0x3: {  	s1 =	srdreg.scid;
	s2 =	stileid.u32;
	s4 =	simm.s32 $0x0  }
0x4: {  	s12 =	simm.s32 $0x1000;
	s13 =	simm.s32 $0x9000;
	s1 =	sand.u32 $0x1, s1  }
0x5: {  	s2 =	sshll.u32 s2, $0x12;
	[smem:$0x7FF] =	sst s4;
	s3 =	sshll.u32 s1, $0x11  }
0x6: {  	s1 =	ssub.s32 $0x2, s1;
	_ =	strace $0x80000047;
	s3 =	sor.u32 s3, s2  }
.Ltmp0:
0x7: {  	[dreg:$0x4] =	wrdreg s3;
	s3 =	sadd.s32 s0, s3;
	(pc) =	sbr.rel .LBB2_1-.Ltmp0, $4  }
0x8: {  	s29 =	sshrl.u32 s1, $0x1;
	s0 =	sadd.s32 $0x2000, s0;
	[dreg:$0x5] =	wrdreg s3  }
0x9: {  	s1 =	ssub.s32 s1, s29;
	s30 =	sadd.s32 $0x1000, s3;
	[dreg:$0x7] =	wrdreg s0  }
0xa: {  	s9 =	simm.s32 $0x15000;
	s31 =	smax.u32 s1, $0x1;
	[dreg:$0x6] =	wrdreg s30  }
0xb: {  	s8 =	sadd.s32 $0x800, s5;
	s2 =	simm.s32 $0x0;
	[dreg:$0x8] =	wrdreg s31  }
.LBB2_12:
0xc: {  	s0 =	simm.s32 $0x3  }
0xd: {  	_ =	swait.ge [sflag:s0], $0x4000  }
0xe: {  	[sflag:s0] =	ssyncset.done $0x0  }
0xf: {  	s1 =	simm.s32 $0x4;
	[sflag:s0] =	ssyncadd.s32 $0xFFFFC000  }
0x10: {  	_ =	swait.ge [sflag:s1], $0x4000  }
0x11: {  	s2 =	rddreg [dreg:$0x9]  }
0x12: {  	s31 =	rddreg [dreg:$0x8];
	s2 =	sadd.s32 $0x1, s2  }
0x13: {  	p0 =	sne.s32 s2, s31  }
.Ltmp1:
0x14: {  	_ = 	snop;
	(pc) =	sbr.rel @!p0 .LBB2_13-.Ltmp1, $3  }
0x15: {  	_ =	sdelay $0x1  }
0x16: {  	[sflag:s1] =	ssyncset.done $0x0  }
0x17: {  	[sflag:s1] =	ssyncadd.s32 $0xFFFFC000  }
.LBB2_1:
0x18: {  	[dreg:$0x9] =	wrdreg s2  }
0x19: {  	s0 =	rddreg [dreg:$0x1];
	s29 =	simm.s32 $0x5  }
0x1a: {  	[tilespmem:s4], [sflag:$0x5] =	stream.linear.gather [hbm4b:s0+s4], $0x1000, $0x38;
	[tilespmem:$0x19000] =	vst v63  }
0x1b: {  	_ =	swait.ge [sflag:s29], $0x1000  }
0x1c: {  	[sflag:s29] =	ssyncset.done $0x0  }
0x1d: {  	s30 =	rddreg [dreg:$0x5];
	[sflag:s29] =	ssyncadd.s32 $0xFFFFF000  }
0x1e: {  	[tilespmem:s12], [sflag:$0x1] =	stream.linear.gather [hbm4b:s30+s4], $0x8000, $0x38;
	[tilespmem:$0x19000] =	vst v63  }
0x1f: {  	s21 =	simm.s32 $0x0;
	s31 =	rddreg [dreg:$0x6]  }
0x20: {  	[tilespmem:s13], [sflag:$0x2] =	stream.linear.gather [hbm4b:s31+s4], $0x8000, $0x38;
	[tilespmem:$0x19000] =	vst v63  }
.LBB2_2:
0x21: {  	s0 =	simm.s32 $0x1  }
0x22: {  	_ =	swait.ge [sflag:s0], $0x8000  }
0x23: {  	p0 =	seq.s32 s21, $0x0;
	[sflag:s0] =	ssyncset.done $0x0  }
0x24: {  	s1 =	simm.s32 @!p0 $0x3;
	[sflag:s0] =	ssyncadd.s32 $0xFFFF8000;
	s0 =	simm.s32 $0x0  }
0x25: {  	_ =	swait.ge @!p0 [sflag:s1], $0x4000;
	s2 =	sand.u32 $0x60, s0  }
0x26: {  	s5 =	sand.u32 $0x780, s0;
	[sflag:s1] =	ssyncset.done @!p0 $0x0;
	s3 =	sor.u32 $0x10, s2  }
0x27: {  	[sflag:s1] =	ssyncadd.s32 @!p0 $0xFFFFC000;
	s25 =	sor.u32 s3, s5  }
0x28: {  	v0 =	vld [tilespmem:s25+$0x0];
	_ =	sdelay $0x3  }
0x29: {  	v2 =	vld [tilespmem:s0+$0x0]  }
0x2a: {  	v1 =	vshll.u32 v0, $0x3  }
0x2b: {  	v0 =	vand.u32 $0x7F, v0;
	v1 =	vand.u32 $0xFFFFFC00, v1  }
0x2c: {  	s6 =	simm.s32 $0x20;
	v5 =	vor.u32 v0, v1  }
0x2d: {  	s26 =	sand.u32 $0x60, s6  }
0x2e: {  	s18 =	sand.u32 $0x780, s6;
	s7 =	sor.u32 $0x10, s26;
	v0 =	vshll.u32 v2, $0x3  }
0x2f: {  	s1 =	sor.u32 s7, s18;
	v1 =	vand.u32 $0x7F, v2;
	v0 =	vand.u32 $0xFFFFFC00, v0  }
0x30: {  	v6 =	vor.u32 v1, v0;
	v0 =	vld [tilespmem:s1+$0x0]  }
0x31: {  	v2 =	vld.idx.msk [tilespmem:v5+s12+$0x0], $0xffff  }
0x32: {  	v1 =	vor.u32 $0x80, v5  }
0x33: {  	s19 =	sand.u32 $0x3C00, s0  }
0x34: {  	s10 =	sadd.s32 $0x11000, s19  }
0x35: {  	s1 =	sor.u32 s3, s10;
	v3 =	vld.idx.msk [tilespmem:v6+s12+$0x0], $0xffff  }
0x36: {  	v4 =	vor.u32 $0x80, v6;
	[tilespmem:s1+$0x0] =	vst v2;
	v2 =	vshll.u32 v0, $0x3  }
0x37: {  	v0 =	vand.u32 $0x7F, v0;
	v7 =	vld.idx.msk [tilespmem:v1+s12+$0x0], $0xffff;
	v1 =	vand.u32 $0xFFFFFC00, v2  }
0x38: {  	v1 =	vor.u32 v0, v1;
	v0 =	vld [tilespmem:s6+$0x0]  }
0x39: {  	s20 =	sor.u32 s2, s10  }
0x3a: {  	s14 =	simm.s32 $0x40;
	v2 =	vor.u32 $0x100, v5;
	[tilespmem:s20+$0x0] =	vst v3  }
0x3b: {  	s15 =	sand.u32 $0x60, s14;
	v3 =	vld.idx.msk [tilespmem:v4+s12+$0x0], $0xffff  }
0x3c: {  	s11 =	sand.u32 $0x780, s14;
	s16 =	sor.u32 $0x10, s15;
	v8 =	vor.u32 $0x100, v6  }
0x3d: {  	s11 =	sor.u32 s16, s11;
	[tilespmem:s1+$0x80] =	vst v7;
	v7 =	vld.idx.msk [tilespmem:v1+s12+$0x0], $0xffff;
	v4 =	vshll.u32 v0, $0x3  }
0x3e: {  	s24 =	simm.s32 $0x100;
	v10 =	vld [tilespmem:s11+$0x0];
	v9 =	vor.u32 $0x80, v1;
	v0 =	vand.u32 $0x7F, v0;
	v4 =	vand.u32 $0xFFFFFC00, v4  }
0x3f: {  	s17 =	sand.u32 $0x3C00, s24;
	v2 =	vld.idx.msk [tilespmem:v2+s12+$0x0], $0xffff;
	v4 =	vor.u32 v0, v4  }
0x40: {  	s11 =	sadd.s32 $0x11000, s17;
	[tilespmem:s20+$0x80] =	vst v3;
	v0 =	vor.u32 $0x180, v5  }
0x41: {  	s28 =	sor.u32 s7, s11;
	v3 =	vld.idx.msk [tilespmem:v8+s12+$0x0], $0xffff  }
0x42: {  	[tilespmem:s28+$0x0] =	vst v7;
	v7 =	vor.u32 $0x180, v6  }
0x43: {  	v8 =	vld.idx.msk [tilespmem:v9+s12+$0x0], $0xffff  }
0x44: {  	v11 =	vor.u32 $0x100, v1;
	[tilespmem:s1+$0x100] =	vst v2;
	v2 =	vshll.u32 v10, $0x3;
	v9 =	vld.idx.msk [tilespmem:v4+s12+$0x0], $0xffff  }
0x45: {  	v13 =	vor.u32 $0x80, v4;
	v2 =	vand.u32 $0xFFFFFC00, v2;
	v12 =	vld.idx.msk [tilespmem:v0+s12+$0x0], $0xffff;
	v0 =	vand.u32 $0x7F, v10  }
0x46: {  	[tilespmem:s20+$0x100] =	vst v3;
	v0 =	vor.u32 v0, v2;
	v2 =	vld [tilespmem:s14+$0x0]  }
0x47: {  	v3 =	vor.u32 $0x200, v5;
	v7 =	vld.idx.msk [tilespmem:v7+s12+$0x0], $0xffff  }
0x48: {  	s29 =	sor.u32 s26, s11;
	[tilespmem:s28+$0x80] =	vst v8;
	v8 =	vor.u32 $0x200, v6  }
0x49: {  	[tilespmem:s29+$0x0] =	vst v9;
	v9 =	vld.idx.msk [tilespmem:v11+s12+$0x0], $0xffff  }
0x4a: {  	s18 =	simm.s32 $0x60;
	v11 =	vor.u32 $0x180, v1;
	v10 =	vld.idx.msk [tilespmem:v13+s12+$0x0], $0xffff  }
0x4b: {  	s31 =	sand.u32 $0x60, s18;
	v14 =	vor.u32 $0x100, v4;
	[tilespmem:s1+$0x180] =	vst v12;
	v12 =	vld.idx.msk [tilespmem:v0+s12+$0x0], $0xffff;
	v13 =	vshll.u32 v2, $0x3  }
0x4c: {  	s22 =	simm.s32 $0x200;
	s25 =	sand.u32 $0x780, s18;
	s19 =	sor.u32 $0x10, s31;
	v15 =	vor.u32 $0x80, v0;
	v3 =	vld.idx.msk [tilespmem:v3+s12+$0x0], $0xffff;
	v2 =	vand.u32 $0x7F, v2;
	v13 =	vand.u32 $0xFFFFFC00, v13;
	[tilespmem:s20+$0x180] =	vst v7  }
0x4d: {  	s26 =	sand.u32 $0x3C00, s22;
	s10 =	sor.u32 s19, s25;
	v2 =	vor.u32 v2, v13;
	v7 =	vld.idx.msk [tilespmem:v8+s12+$0x0], $0xffff  }
0x4e: {  	s14 =	sadd.s32 $0x11000, s26;
	v8 =	vld [tilespmem:s10+$0x0];
	[tilespmem:s28+$0x100] =	vst v9;
	v9 =	vor.u32 $0x280, v6  }
0x4f: {  	s23 =	sor.u32 s16, s14;
	[tilespmem:s29+$0x80] =	vst v10;
	v10 =	vld.idx.msk [tilespmem:v11+s12+$0x0], $0xffff;
	v11 =	vor.u32 $0x280, v5  }
0x50: {  	[tilespmem:s23+$0x0] =	vst v12;
	v12 =	vld.idx.msk [tilespmem:v14+s12+$0x0], $0xffff  }
0x51: {  	v13 =	vor.u32 $0x200, v1;
	v14 =	vld.idx.msk [tilespmem:v15+s12+$0x0], $0xffff  }
0x52: {  	v16 =	vor.u32 $0x180, v4;
	v15 =	vld.idx.msk [tilespmem:v2+s12+$0x0], $0xffff;
	[tilespmem:s20+$0x200] =	vst v7  }
0x53: {  	[tilespmem:s1+$0x200] =	vst v3;
	v3 =	vshll.u32 v8, $0x3;
	v7 =	vor.u32 $0x100, v0;
	v9 =	vld.idx.msk [tilespmem:v9+s12+$0x0], $0xffff  }
0x54: {  	v17 =	vor.u32 $0x80, v2;
	v8 =	vand.u32 $0x7F, v8;
	v3 =	vand.u32 $0xFFFFFC00, v3;
	[tilespmem:s28+$0x180] =	vst v10;
	v10 =	vld.idx.msk [tilespmem:v11+s12+$0x0], $0xffff  }
0x55: {  	v3 =	vor.u32 v8, v3;
	v11 =	vld [tilespmem:s18+$0x0]  }
0x56: {  	v8 =	vld.idx.msk [tilespmem:v13+s12+$0x0], $0xffff;
	[tilespmem:s29+$0x100] =	vst v12;
	v12 =	vor.u32 $0x300, v5  }
0x57: {  	s26 =	sor.u32 s15, s14;
	[tilespmem:s23+$0x80] =	vst v14;
	v13 =	vor.u32 $0x300, v6;
	v14 =	vld.idx.msk [tilespmem:v16+s12+$0x0], $0xffff  }
0x58: {  	[tilespmem:s26+$0x0] =	vst v15;
	v7 =	vld.idx.msk [tilespmem:v7+s12+$0x0], $0xffff  }
0x59: {  	s6 =	simm.s32 $0x80;
	v16 =	vor.u32 $0x200, v4;
	v15 =	vld.idx.msk [tilespmem:v17+s12+$0x0], $0xffff  }
0x5a: {  	s2 =	sand.u32 $0x60, s6;
	v18 =	vor.u32 $0x180, v0;
	v17 =	vld.idx.msk [tilespmem:v3+s12+$0x0], $0xffff;
	[tilespmem:s1+$0x280] =	vst v10  }
0x5b: {  	s7 =	sor.u32 $0x10, s2;
	s15 =	sand.u32 $0x780, s6;
	[tilespmem:s20+$0x280] =	vst v9;
	v9 =	vor.u32 $0x100, v2;
	v10 =	vld.idx.msk [tilespmem:v12+s12+$0x0], $0xffff  }
0x5c: {  	s0 =	sand.u32 $0x3, s0;
	s25 =	simm.s32 $0x300;
	s1 =	sor.u32 s7, s15;
	v12 =	vor.u32 $0x80, v3;
	v13 =	vld.idx.msk [tilespmem:v13+s12+$0x0], $0xffff  }
0x5d: {  	s0 =	sshll.u32 s0, $0x5;
	v21 =	vor.u32 $0x380, v5;
	s16 =	sand.u32 $0x3C00, s25;
	v19 =	vshll.u32 v11, $0x3;
	v20 =	vld [tilespmem:s1+$0x0];
	[tilespmem:s29+$0x180] =	vst v14  }
0x5e: {  	v6 =	vor.u32 $0x380, v6;
	s20 =	sadd.s32 $0x11000, s16;
	v11 =	vand.u32 $0x7F, v11;
	s15 =	sadd.s32 $0x0, s0;
	v5 =	vand.u32 $0xFFFFFC00, v19;
	[tilespmem:s23+$0x100] =	vst v7;
	v7 =	vld.idx.msk [tilespmem:v16+s12+$0x0], $0xffff  }
0x5f: {  	s1 =	sor.u32 s19, s20;
	s16 =	sadd.s32 $0x10, s15;
	v5 =	vor.u32 v11, v5;
	[tilespmem:s26+$0x80] =	vst v15;
	v16 =	vld.idx.msk [tilespmem:v18+s12+$0x0], $0xffff  }
0x60: {  	v19 =	vor.u32 $0x280, v4;
	s17 =	sor.u32 $0x300, s16;
	v14 =	vld.idx.msk [tilespmem:v9+s12+$0x0], $0xffff;
	[tilespmem:s1+$0x0] =	vst v17  }
0x61: {  	s18 =	sor.u32 $0x300, s15;
	v17 =	vor.u32 $0x280, v1;
	v15 =	vld.idx.msk [tilespmem:v12+s12+$0x0], $0xffff;
	[tilespmem:s17+$0x11000] =	vst v10  }
0x62: {  	v18 =	vor.u32 $0x200, v0;
	[tilespmem:s18+$0x11000] =	vst v13;
	v12 =	vld.idx.msk [tilespmem:v21+s12+$0x0], $0xffff  }
0x63: {  	s30 =	simm.s32 $0x400;
	[tilespmem:s28+$0x200] =	vst v8;
	v11 =	vld.idx.msk [tilespmem:v6+s12+$0x0], $0xffff  }
0x64: {  	s5 =	simm.s32 $0xA0;
	s11 =	simm.s32 $0x8;
	s19 =	simm.s32 $0x1;
	v8 =	vor.u32 $0x80, v5;
	v9 =	vshll.u32 v20, $0x3;
	v10 =	vor.u32 $0x180, v2;
	v13 =	vld.idx.msk [tilespmem:v5+s12+$0x0], $0xffff;
	[tilespmem:s29+$0x200] =	vst v7  }
0x65: {  	s3 =	simm.s32 $0xA0;
	s0 =	simm.s32 $0x2;
	s10 =	sand.u32 $0x3, s19;
	v6 =	vand.u32 $0x7F, v20;
	v7 =	vand.u32 $0xFFFFFC00, v9;
	v9 =	vor.u32 $0x100, v3;
	[tilespmem:s23+$0x180] =	vst v16;
	v16 =	vld.idx.msk [tilespmem:v19+s12+$0x0], $0xffff  }
.LBB2_3:
0x66: {  	s17 =	sand.u32 $0x60, s3;
	s11 =	sadd.s32 $0x2, s11;
	[tilespmem:s26+$0x100] =	vst v14;
	v14 =	vld.idx.msk [tilespmem:v17+s12+$0x0], $0xffff;
	s15 =	sor.u32 $0x380, s15  }
0x67: {  	s18 =	sand.u32 $0x780, s3;
	v6 =	vor.u32 v6, v7;
	s16 =	sor.u32 $0x380, s16;
	s14 =	sor.u32 $0x10, s17;
	[tilespmem:s1+$0x80] =	vst v15;
	v7 =	vld.idx.msk [tilespmem:v18+s12+$0x0], $0xffff  }
0x68: {  	s19 =	sand.u32 $0x3, s0;
	v17 =	vor.u32 $0x300, v4;
	p1 =	slt.u32 s11, $0x7E;
	v18 =	vor.u32 $0x300, v1;
	s18 =	sor.u32 s14, s18;
	v15 =	vld [tilespmem:s6+$0x0];
	[tilespmem:s16+$0x11000] =	vst v12  }
0x69: {  	s16 =	sor.u32 s31, s20;
	s31 =	smov.u32 s2;
	s2 =	smov.u32 s17;
	v10 =	vld.idx.msk [tilespmem:v10+s12+$0x0], $0xffff;
	[tilespmem:s15+$0x11000] =	vst v11  }
0x6a: {  	s6 =	smov.u32 s5;
	[tilespmem:s16+$0x0] =	vst v13;
	v9 =	vld.idx.msk [tilespmem:v9+s12+$0x0], $0xffff  }
0x6b: {  	v11 =	vor.u32 $0x200, v2;
	v8 =	vld.idx.msk [tilespmem:v8+s12+$0x0], $0xffff;
	[tilespmem:s29+$0x280] =	vst v16;
	s29 =	smov.u32 s26;
	s26 =	smov.u32 s16  }
0x6c: {  	v13 =	vor.u32 $0x180, v3;
	v12 =	vld.idx.msk [tilespmem:v6+s12+$0x0], $0xffff;
	[tilespmem:s28+$0x280] =	vst v14;
	s28 =	smov.u32 s23;
	s23 =	smov.u32 s1  }
0x6d: {  	v16 =	vor.u32 $0x100, v5;
	v14 =	vshll.u32 v15, $0x3;
	[tilespmem:s28+$0x200] =	vst v7;
	v7 =	vld.idx.msk [tilespmem:v18+s12+$0x0], $0xffff  }
0x6e: {  	v18 =	vor.u32 $0x80, v6;
	v14 =	vand.u32 $0xFFFFFC00, v14;
	v19 =	vld.idx.msk [tilespmem:v17+s12+$0x0], $0xffff  }
0x6f: {  	v21 =	vor.u32 $0x380, v1;
	v1 =	vmovc v0;
	v0 =	vmovc v3;
	s15 =	sshll.u32 s10, $0x5;
	s10 =	smov.u32 s19;
	v3 =	vmov v6;
	s1 =	sand.u32 $0x3C00, s30;
	v20 =	vld [tilespmem:s18+$0x0];
	[tilespmem:s29+$0x180] =	vst v10;
	v10 =	vor.u32 $0x380, v4  }
0x70: {  	s15 =	sadd.s32 s15, s24;
	s24 =	smov.u32 s22;
	v6 =	vand.u32 $0x7F, v15;
	s20 =	sadd.s32 $0x11000, s1;
	v4 =	vmov v2;
	v2 =	vmov v5;
	[tilespmem:s23+$0x100] =	vst v9;
	v9 =	vld.idx.msk [tilespmem:v11+s12+$0x0], $0xffff  }
0x71: {  	s16 =	sadd.s32 $0x10, s15;
	s1 =	sor.u32 s7, s20;
	s7 =	smov.u32 s14;
	v5 =	vor.u32 v6, v14;
	[tilespmem:s26+$0x80] =	vst v8;
	v22 =	vld.idx.msk [tilespmem:v13+s12+$0x0], $0xffff  }
0x72: {  	s22 =	smov.u32 s25;
	s17 =	sor.u32 $0x300, s16;
	s14 =	sor.u32 $0x300, s15;
	v8 =	vor.u32 $0x80, v5;
	[tilespmem:s1+$0x0] =	vst v12;
	v14 =	vld.idx.msk [tilespmem:v16+s12+$0x0], $0xffff;
	v16 =	vor.u32 $0x280, v4  }
.Ltmp2:
0x73: {  	s25 =	smov.u32 s30;
	v17 =	vor.u32 $0x280, v1;
	v15 =	vld.idx.msk [tilespmem:v18+s12+$0x0], $0xffff;
	[tilespmem:s17+$0x11000] =	vst v7;
	(pc) =	sbr.rel @p1 .LBB2_3-.Ltmp2, $4  }
0x74: {  	v18 =	vor.u32 $0x200, v0;
	v6 =	vand.u32 $0x7F, v20;
	v7 =	vshll.u32 v20, $0x3;
	[tilespmem:s14+$0x11000] =	vst v19;
	v12 =	vld.idx.msk [tilespmem:v21+s12+$0x0], $0xffff  }
0x75: {  	v7 =	vand.u32 $0xFFFFFC00, v7;
	v11 =	vld.idx.msk [tilespmem:v10+s12+$0x0], $0xffff  }
0x76: {  	s0 =	sadd.s32 $0x1, s0;
	v10 =	vor.u32 $0x180, v2;
	v13 =	vld.idx.msk [tilespmem:v5+s12+$0x0], $0xffff;
	[tilespmem:s29+$0x200] =	vst v9  }
0x77: {  	s3 =	sadd.s32 $0x20, s3;
	s5 =	sadd.s32 $0x20, s5;
	s30 =	sadd.s32 $0x100, s30;
	v9 =	vor.u32 $0x100, v3;
	[tilespmem:s23+$0x180] =	vst v22;
	v16 =	vld.idx.msk [tilespmem:v16+s12+$0x0], $0xffff  }
0x78: {  	v19 =	vld [tilespmem:s6+$0x0];
	_ =	sdelay $0x4  }
0x79: {  	v20 =	vshll.u32 v19, $0x3  }
0x7a: {  	v7 =	vor.u32 v6, v7;
	v19 =	vand.u32 $0x7F, v19;
	v6 =	vand.u32 $0xFFFFFC00, v20  }
0x7b: {  	v6 =	vor.u32 v19, v6;
	_ =	sdelay $0x3  }
0x7c: {  	[tilespmem:s26+$0x100] =	vst v14;
	v14 =	vld.idx.msk [tilespmem:v7+s12+$0x0], $0xffff  }
0x7d: {  	[tilespmem:s1+$0x80] =	vst v15;
	s3 =	sor.u32 $0x380, s16;
	v15 =	vor.u32 $0x80, v7;
	v19 =	vld.idx.msk [tilespmem:v6+s12+$0x0], $0xffff  }
0x7e: {  	s18 =	sor.u32 $0x380, s15;
	s19 =	sand.u32 $0x3C00, s30;
	[tilespmem:s3+$0x11000] =	vst v12;
	v12 =	vor.u32 $0x80, v6  }
0x7f: {  	v17 =	vld.idx.msk [tilespmem:v17+s12+$0x0], $0xffff;
	s5 =	sor.u32 s31, s20;
	s11 =	sadd.s32 $0x11000, s19;
	[tilespmem:s18+$0x11000] =	vst v11  }
0x80: {  	v11 =	vld.idx.msk [tilespmem:v18+s12+$0x0], $0xffff;
	s3 =	sor.u32 s7, s11;
	[tilespmem:s5+$0x0] =	vst v13  }
0x81: {  	s2 =	sor.u32 s2, s11;
	v13 =	vor.u32 $0x300, v1;
	v8 =	vld.idx.msk [tilespmem:v8+s12+$0x0], $0xffff;
	[tilespmem:s3+$0x0] =	vst v14  }
0x82: {  	v14 =	vor.u32 $0x100, v5;
	v15 =	vld.idx.msk [tilespmem:v15+s12+$0x0], $0xffff;
	[tilespmem:s2+$0x0] =	vst v19  }
0x83: {  	[tilespmem:s29+$0x280] =	vst v16;
	v16 =	vor.u32 $0x100, v7;
	v12 =	vld.idx.msk [tilespmem:v12+s12+$0x0], $0xffff  }
0x84: {  	v10 =	vld.idx.msk [tilespmem:v10+s12+$0x0], $0xffff;
	[tilespmem:s28+$0x280] =	vst v17;
	v17 =	vor.u32 $0x100, v6  }
0x85: {  	v9 =	vld.idx.msk [tilespmem:v9+s12+$0x0], $0xffff;
	[tilespmem:s23+$0x200] =	vst v11;
	v11 =	vor.u32 $0x200, v2  }
0x86: {  	v18 =	vor.u32 $0x300, v4;
	v13 =	vld.idx.msk [tilespmem:v13+s12+$0x0], $0xffff;
	[tilespmem:s5+$0x80] =	vst v8  }
0x87: {  	s14 =	sshll.u32 s10, $0x5;
	v8 =	vor.u32 $0x180, v3;
	v14 =	vld.idx.msk [tilespmem:v14+s12+$0x0], $0xffff;
	[tilespmem:s3+$0x80] =	vst v15  }
0x88: {  	s6 =	sadd.s32 s14, s24;
	v15 =	vor.u32 $0x180, v5;
	v16 =	vld.idx.msk [tilespmem:v16+s12+$0x0], $0xffff;
	[tilespmem:s2+$0x80] =	vst v12  }
0x89: {  	s15 =	sadd.s32 $0x10, s6;
	[tilespmem:s26+$0x180] =	vst v10;
	v10 =	vor.u32 $0x180, v7;
	v12 =	vld.idx.msk [tilespmem:v17+s12+$0x0], $0xffff  }
0x8a: {  	s16 =	sor.u32 $0x300, s15;
	[tilespmem:s1+$0x100] =	vst v9;
	v9 =	vor.u32 $0x180, v6;
	v11 =	vld.idx.msk [tilespmem:v11+s12+$0x0], $0xffff  }
0x8b: {  	v1 =	vor.u32 $0x380, v1;
	[tilespmem:s16+$0x11000] =	vst v13;
	v17 =	vld.idx.msk [tilespmem:v18+s12+$0x0], $0xffff  }
0x8c: {  	v4 =	vor.u32 $0x380, v4;
	v8 =	vld.idx.msk [tilespmem:v8+s12+$0x0], $0xffff;
	[tilespmem:s5+$0x100] =	vst v14  }
0x8d: {  	v13 =	vor.u32 $0x200, v3;
	v14 =	vld.idx.msk [tilespmem:v15+s12+$0x0], $0xffff;
	[tilespmem:s3+$0x100] =	vst v16  }
0x8e: {  	v15 =	vor.u32 $0x200, v5;
	v10 =	vld.idx.msk [tilespmem:v10+s12+$0x0], $0xffff;
	[tilespmem:s2+$0x100] =	vst v12  }
0x8f: {  	s17 =	sor.u32 $0x300, s6;
	[tilespmem:s26+$0x200] =	vst v11;
	v12 =	vor.u32 $0x200, v7;
	v9 =	vld.idx.msk [tilespmem:v9+s12+$0x0], $0xffff  }
0x90: {  	v1 =	vld.idx.msk [tilespmem:v1+s12+$0x0], $0xffff;
	v11 =	vor.u32 $0x200, v6;
	[tilespmem:s17+$0x11000] =	vst v17  }
0x91: {  	[tilespmem:s1+$0x180] =	vst v8;
	v16 =	vor.u32 $0x280, v0;
	v4 =	vld.idx.msk [tilespmem:v4+s12+$0x0], $0xffff  }
0x92: {  	v8 =	vor.u32 $0x280, v2;
	v13 =	vld.idx.msk [tilespmem:v13+s12+$0x0], $0xffff;
	[tilespmem:s5+$0x180] =	vst v14  }
0x93: {  	v14 =	vld.idx.msk [tilespmem:v15+s12+$0x0], $0xffff;
	v15 =	vor.u32 $0x280, v3;
	[tilespmem:s3+$0x180] =	vst v10  }
0x94: {  	s7 =	sor.u32 $0x380, s15;
	v10 =	vor.u32 $0x280, v5;
	v12 =	vld.idx.msk [tilespmem:v12+s12+$0x0], $0xffff;
	[tilespmem:s2+$0x180] =	vst v9  }
0x95: {  	s6 =	sor.u32 $0x380, s6;
	[tilespmem:s7+$0x11000] =	vst v1;
	v9 =	vor.u32 $0x280, v7;
	v1 =	vld.idx.msk [tilespmem:v11+s12+$0x0], $0xffff  }
0x96: {  	[tilespmem:s6+$0x11000] =	vst v4;
	v4 =	vor.u32 $0x280, v6;
	v11 =	vld.idx.msk [tilespmem:v16+s12+$0x0], $0xffff  }
0x97: {  	v8 =	vld.idx.msk [tilespmem:v8+s12+$0x0], $0xffff;
	[tilespmem:s1+$0x200] =	vst v13;
	v16 =	vor.u32 $0x300, v0  }
0x98: {  	v13 =	vor.u32 $0x300, v2;
	[tilespmem:s5+$0x200] =	vst v14;
	v14 =	vld.idx.msk [tilespmem:v15+s12+$0x0], $0xffff  }
0x99: {  	v15 =	vor.u32 $0x300, v3;
	v10 =	vld.idx.msk [tilespmem:v10+s12+$0x0], $0xffff;
	[tilespmem:s3+$0x200] =	vst v12  }
0x9a: {  	v12 =	vor.u32 $0x300, v5;
	[tilespmem:s2+$0x200] =	vst v1;
	v1 =	vld.idx.msk [tilespmem:v9+s12+$0x0], $0xffff  }
0x9b: {  	[tilespmem:s23+$0x280] =	vst v11;
	v9 =	vor.u32 $0x300, v7;
	v4 =	vld.idx.msk [tilespmem:v4+s12+$0x0], $0xffff  }
0x9c: {  	s18 =	sand.u32 $0x3, s0;
	[tilespmem:s26+$0x280] =	vst v8;
	v11 =	vor.u32 $0x300, v6;
	v8 =	vld.idx.msk [tilespmem:v16+s12+$0x0], $0xffff  }
0x9d: {  	s19 =	sadd.s32 $0x1, s0;
	v13 =	vld.idx.msk [tilespmem:v13+s12+$0x0], $0xffff;
	s6 =	sshll.u32 s18, $0x5;
	v0 =	vor.u32 $0x380, v0;
	[tilespmem:s1+$0x280] =	vst v14  }
0x9e: {  	s20 =	sand.u32 $0x3, s19;
	v2 =	vor.u32 $0x380, v2;
	s6 =	sadd.s32 s6, s22;
	[tilespmem:s5+$0x280] =	vst v10;
	v10 =	vld.idx.msk [tilespmem:v15+s12+$0x0], $0xffff  }
0x9f: {  	s0 =	sadd.s32 $0x1, s19;
	v3 =	vor.u32 $0x380, v3;
	s22 =	sadd.s32 $0x10, s6;
	s1 =	sshll.u32 s20, $0x5;
	v12 =	vld.idx.msk [tilespmem:v12+s12+$0x0], $0xffff;
	[tilespmem:s3+$0x280] =	vst v1  }
0xa0: {  	s0 =	sand.u32 $0x3, s0;
	s1 =	sadd.s32 s1, s25;
	s23 =	sor.u32 $0x300, s22;
	v1 =	vor.u32 $0x380, v5;
	[tilespmem:s2+$0x280] =	vst v4;
	v4 =	vld.idx.msk [tilespmem:v9+s12+$0x0], $0xffff  }
0xa1: {  	s0 =	sshll.u32 s0, $0x5;
	s24 =	sor.u32 $0x300, s6;
	s25 =	sadd.s32 $0x10, s1;
	v7 =	vor.u32 $0x380, v7;
	[tilespmem:s23+$0x11000] =	vst v8;
	v5 =	vld.idx.msk [tilespmem:v11+s12+$0x0], $0xffff  }
0xa2: {  	s0 =	sadd.s32 s0, s30;
	[tilespmem:s24+$0x11000] =	vst v13;
	s26 =	sor.u32 $0x300, s25;
	v6 =	vor.u32 $0x380, v6;
	v0 =	vld.idx.msk [tilespmem:v0+s12+$0x0], $0xffff  }
0xa3: {  	s29 =	sadd.s32 $0x10, s0;
	v2 =	vld.idx.msk [tilespmem:v2+s12+$0x0], $0xffff;
	s28 =	sor.u32 $0x300, s1;
	[tilespmem:s26+$0x11000] =	vst v10  }
0xa4: {  	s30 =	sor.u32 $0x300, s29;
	v3 =	vld.idx.msk [tilespmem:v3+s12+$0x0], $0xffff;
	[tilespmem:s28+$0x11000] =	vst v12  }
0xa5: {  	s31 =	sor.u32 $0x300, s0;
	v1 =	vld.idx.msk [tilespmem:v1+s12+$0x0], $0xffff;
	[tilespmem:s30+$0x11000] =	vst v4  }
0xa6: {  	s5 =	sor.u32 $0x380, s22;
	[tilespmem:s31+$0x11000] =	vst v5;
	v4 =	vld.idx.msk [tilespmem:v7+s12+$0x0], $0xffff  }
0xa7: {  	s6 =	sor.u32 $0x380, s6;
	[tilespmem:s5+$0x11000] =	vst v0;
	v0 =	vld.idx.msk [tilespmem:v6+s12+$0x0], $0xffff  }
0xa8: {  	[tilespmem:s6+$0x11000] =	vst v2;
	s3 =	sor.u32 $0x380, s25  }
0xa9: {  	s1 =	sor.u32 $0x380, s1;
	[tilespmem:s3+$0x11000] =	vst v3  }
0xaa: {  	s2 =	sor.u32 $0x380, s29;
	[tilespmem:s1+$0x11000] =	vst v1  }
0xab: {  	s0 =	sor.u32 $0x380, s0;
	[tilespmem:s2+$0x11000] =	vst v4  }
0xac: {  	[tilespmem:s0+$0x11000] =	vst v0  }
0xad: {  	s3 =	sshll.u32 s21, $0xD;
	s0 =	rddreg [dreg:$0x4];
	[bflag:$0x0] =	sbarrier.arrive $0xFFFF  }
0xae: {  	s22 =	sor.u32 s0, s3;
	s5 =	rddreg [dreg:$0x2]  }
0xaf: {  	s6 =	simm.s32 $0x11000;
	s0 =	sadd.s32 s5, s22  }
0xb0: {  	[hbm4b:s0+s4] =	stream.linear.scatter [tilespmem:s6], [sflag:$0x3], $0x4000, $0x38;
	[tilespmem:$0x19000] =	vst v63  }
0xb1: {  	s0 =	simm.s32 @!p0 $0x4  }
0xb2: {  	_ =	swait.ge @!p0 [sflag:s0], $0x4000  }
0xb3: {  	s7 =	simm.s32 $0x0;
	[sflag:s0] =	ssyncset.done @!p0 $0x0  }
0xb4: {  	s14 =	sand.u32 $0x7E0, s7;
	[sflag:s0] =	ssyncadd.s32 @!p0 $0xFFFFC000  }
0xb5: {  	v0 =	vld [tilespmem:s14+$0x800];
	_ =	sdelay $0x4  }
0xb6: {  	v1 =	vshll.u32 v0, $0x3  }
0xb7: {  	v0 =	vand.u32 $0x7F, v0;
	v1 =	vand.u32 $0xFFFFFC00, v1  }
0xb8: {  	s15 =	simm.s32 $0x810;
	v3 =	vor.u32 v0, v1  }
0xb9: {  	v0 =	vld [tilespmem:s15+$0x0];
	_ =	sdelay $0x3  }
0xba: {  	v1 =	vld.idx.msk [tilespmem:v3+s12+$0x0], $0xffff  }
0xbb: {  	s16 =	simm.s32 $0x20;
	v4 =	vor.u32 $0x80, v3;
	v2 =	vshll.u32 v0, $0x3  }
0xbc: {  	s17 =	sand.u32 $0x7E0, s16;
	v0 =	vand.u32 $0x7F, v0;
	v2 =	vand.u32 $0xFFFFFC00, v2  }
0xbd: {  	s19 =	sand.u32 $0x3C00, s7;
	s18 =	sand.u32 $0x60, s7;
	v7 =	vor.u32 v0, v2;
	v0 =	vld [tilespmem:s17+$0x800]  }
0xbe: {  	s20 =	sor.u32 s18, s19  }
0xbf: {  	[tilespmem:s20+$0x15000] =	vst v1  }
0xc0: {  	v1 =	vld.idx.msk [tilespmem:v4+s12+$0x0], $0xffff  }
0xc1: {  	v2 =	vor.u32 $0x100, v3  }
0xc2: {  	v4 =	vld.idx.msk [tilespmem:v7+s12+$0x0], $0xffff;
	v6 =	vshll.u32 v0, $0x3  }
0xc3: {  	s23 =	simm.s32 $0x830;
	v5 =	vor.u32 $0x80, v7;
	v0 =	vand.u32 $0x7F, v0;
	v6 =	vand.u32 $0xFFFFFC00, v6  }
0xc4: {  	s0 =	sadd.s32 $0x15000, s20;
	v8 =	vld [tilespmem:s23+$0x0];
	v6 =	vor.u32 v0, v6  }
0xc5: {  	[tilespmem:s0+$0x80] =	vst v1  }
0xc6: {  	v0 =	vld.idx.msk [tilespmem:v2+s12+$0x0], $0xffff  }
0xc7: {  	v1 =	vor.u32 $0x180, v3;
	[tilespmem:s0+$0x10] =	vst v4  }
0xc8: {  	v2 =	vld.idx.msk [tilespmem:v5+s12+$0x0], $0xffff  }
0xc9: {  	v4 =	vor.u32 $0x100, v7;
	v5 =	vshll.u32 v8, $0x3;
	v9 =	vld.idx.msk [tilespmem:v6+s12+$0x0], $0xffff  }
0xca: {  	s29 =	simm.s32 $0x850;
	v10 =	vor.u32 $0x80, v6;
	v8 =	vand.u32 $0x7F, v8;
	v5 =	vand.u32 $0xFFFFFC00, v5  }
0xcb: {  	s24 =	simm.s32 $0x40;
	s26 =	simm.s32 $0x100;
	[tilespmem:s0+$0x100] =	vst v0;
	v0 =	vor.u32 v8, v5;
	v8 =	vld [tilespmem:s29+$0x0]  }
0xcc: {  	s28 =	sand.u32 $0x7E0, s24;
	s2 =	sand.u32 $0x60, s16;
	s5 =	sand.u32 $0x3C00, s26;
	v1 =	vld.idx.msk [tilespmem:v1+s12+$0x0], $0xffff  }
0xcd: {  	s2 =	sor.u32 s2, s5;
	v5 =	vor.u32 $0x200, v3;
	[tilespmem:s0+$0x90] =	vst v2;
	v2 =	vld [tilespmem:s28+$0x800]  }
0xce: {  	v4 =	vld.idx.msk [tilespmem:v4+s12+$0x0], $0xffff;
	[tilespmem:s2+$0x15000] =	vst v9  }
0xcf: {  	v9 =	vor.u32 $0x180, v7;
	v10 =	vld.idx.msk [tilespmem:v10+s12+$0x0], $0xffff  }
0xd0: {  	v12 =	vor.u32 $0x100, v6;
	v11 =	vld.idx.msk [tilespmem:v0+s12+$0x0], $0xffff  }
0xd1: {  	v13 =	vor.u32 $0x80, v0;
	[tilespmem:s0+$0x180] =	vst v1  }
0xd2: {  	s30 =	simm.s32 $0x870;
	v1 =	vshll.u32 v2, $0x3;
	v5 =	vld.idx.msk [tilespmem:v5+s12+$0x0], $0xffff  }
0xd3: {  	s25 =	sadd.s32 $0x15000, s2;
	v14 =	vld [tilespmem:s30+$0x0];
	v2 =	vand.u32 $0x7F, v2;
	[tilespmem:s0+$0x110] =	vst v4;
	v1 =	vand.u32 $0xFFFFFC00, v1;
	v4 =	vor.u32 $0x280, v3  }
0xd4: {  	v9 =	vld.idx.msk [tilespmem:v9+s12+$0x0], $0xffff;
	v1 =	vor.u32 v2, v1;
	v2 =	vshll.u32 v8, $0x3;
	[tilespmem:s25+$0x80] =	vst v10  }
0xd5: {  	s31 =	simm.s32 $0x60;
	v8 =	vand.u32 $0x7F, v8;
	v10 =	vor.u32 $0x200, v7;
	v2 =	vand.u32 $0xFFFFFC00, v2;
	v12 =	vld.idx.msk [tilespmem:v12+s12+$0x0], $0xffff;
	[tilespmem:s25+$0x10] =	vst v11  }
0xd6: {  	s10 =	sand.u32 $0x7E0, s31;
	v2 =	vor.u32 v8, v2;
	v11 =	vor.u32 $0x180, v6;
	v8 =	vld.idx.msk [tilespmem:v13+s12+$0x0], $0xffff  }
0xd7: {  	v17 =	vld [tilespmem:s10+$0x800];
	[tilespmem:s0+$0x200] =	vst v5  }
0xd8: {  	v5 =	vor.u32 $0x100, v0;
	v4 =	vld.idx.msk [tilespmem:v4+s12+$0x0], $0xffff  }
0xd9: {  	v13 =	vor.u32 $0x300, v3;
	[tilespmem:s0+$0x190] =	vst v9;
	v9 =	vld.idx.msk [tilespmem:v1+s12+$0x0], $0xffff  }
0xda: {  	v15 =	vor.u32 $0x80, v1;
	v10 =	vld.idx.msk [tilespmem:v10+s12+$0x0], $0xffff;
	[tilespmem:s25+$0x100] =	vst v12  }
0xdb: {  	s23 =	simm.s32 $0x200;
	v11 =	vld.idx.msk [tilespmem:v11+s12+$0x0], $0xffff;
	[tilespmem:s25+$0x90] =	vst v8;
	v8 =	vor.u32 $0x280, v7  }
0xdc: {  	s3 =	sand.u32 $0x60, s24;
	s11 =	sand.u32 $0x3C00, s23;
	v12 =	vor.u32 $0x200, v6;
	v16 =	vld.idx.msk [tilespmem:v2+s12+$0x0], $0xffff  }
0xdd: {  	s14 =	sor.u32 s3, s11;
	v5 =	vld.idx.msk [tilespmem:v5+s12+$0x0], $0xffff;
	[tilespmem:s0+$0x280] =	vst v4  }
0xde: {  	v4 =	vor.u32 $0x180, v0;
	[tilespmem:s14+$0x15000] =	vst v9;
	v9 =	vld.idx.msk [tilespmem:v13+s12+$0x0], $0xffff  }
0xdf: {  	s1 =	sand.u32 $0x3, s7;
	v13 =	vld.idx.msk [tilespmem:v15+s12+$0x0], $0xffff;
	[tilespmem:s0+$0x210] =	vst v10;
	v10 =	vor.u32 $0x380, v3  }
0xe0: {  	s1 =	sshll.u32 s1, $0x5;
	v15 =	vor.u32 $0x100, v1;
	[tilespmem:s25+$0x180] =	vst v11;
	v8 =	vld.idx.msk [tilespmem:v8+s12+$0x0], $0xffff  }
0xe1: {  	s15 =	sadd.s32 $0x0, s1;
	s17 =	simm.s32 $0x890;
	v11 =	vor.u32 $0x80, v2;
	v12 =	vld.idx.msk [tilespmem:v12+s12+$0x0], $0xffff  }
0xe2: {  	s18 =	sor.u32 $0x300, s15;
	v19 =	vor.u32 $0x300, v7;
	v3 =	vshll.u32 v17, $0x3;
	[tilespmem:s25+$0x110] =	vst v5;
	v5 =	vld [tilespmem:s17+$0x0]  }
0xe3: {  	s24 =	sadd.s32 $0x15000, s14;
	v3 =	vand.u32 $0xFFFFFC00, v3;
	v18 =	vld.idx.msk [tilespmem:v4+s12+$0x0], $0xffff;
	v4 =	vand.u32 $0x7F, v17;
	v17 =	vor.u32 $0x280, v6;
	[tilespmem:s18+$0x15000] =	vst v9  }
0xe4: {  	v3 =	vor.u32 v4, v3;
	v4 =	vshll.u32 v14, $0x3;
	[tilespmem:s24+$0x80] =	vst v13;
	v13 =	vld.idx.msk [tilespmem:v10+s12+$0x0], $0xffff  }
0xe5: {  	[tilespmem:s24+$0x10] =	vst v16;
	v9 =	vand.u32 $0x7F, v14;
	v14 =	vor.u32 $0x200, v0;
	v4 =	vand.u32 $0xFFFFFC00, v4;
	v10 =	vld.idx.msk [tilespmem:v15+s12+$0x0], $0xffff  }
0xe6: {  	v4 =	vor.u32 v9, v4;
	v9 =	vld.idx.msk [tilespmem:v11+s12+$0x0], $0xffff;
	[tilespmem:s0+$0x290] =	vst v8  }
0xe7: {  	[tilespmem:s25+$0x200] =	vst v12;
	v12 =	vld.idx.msk [tilespmem:v19+s12+$0x0], $0xffff  }
0xe8: {  	v11 =	vor.u32 $0x180, v1;
	v16 =	vld.idx.msk [tilespmem:v17+s12+$0x0], $0xffff  }
0xe9: {  	s7 =	simm.s32 $0x80;
	v15 =	vor.u32 $0x100, v2;
	[tilespmem:s25+$0x190] =	vst v18;
	v17 =	vld.idx.msk [tilespmem:v3+s12+$0x0], $0xffff  }
0xea: {  	s19 =	sand.u32 $0x7E0, s7;
	v7 =	vor.u32 $0x380, v7;
	v19 =	vld.idx.msk [tilespmem:v14+s12+$0x0], $0xffff  }
0xeb: {  	v18 =	vor.u32 $0x300, v6;
	v14 =	vld [tilespmem:s19+$0x800]  }
0xec: {  	s28 =	sadd.s32 $0x10, s15;
	v20 =	vor.u32 $0x80, v3;
	[tilespmem:s24+$0x100] =	vst v10;
	v8 =	vld.idx.msk [tilespmem:v4+s12+$0x0], $0xffff  }
0xed: {  	s6 =	simm.s32 $0x300;
	s29 =	sor.u32 $0x300, s28;
	v11 =	vld.idx.msk [tilespmem:v11+s12+$0x0], $0xffff;
	[tilespmem:s24+$0x90] =	vst v9;
	v9 =	vor.u32 $0x280, v0  }
0xee: {  	s26 =	sand.u32 $0x3C00, s6;
	s20 =	sand.u32 $0x60, s31;
	v22 =	vor.u32 $0x200, v1;
	v21 =	vld.idx.msk [tilespmem:v15+s12+$0x0], $0xffff;
	[tilespmem:s29+$0x15000] =	vst v12  }
0xef: {  	s1 =	simm.s32 $0x1;
	s16 =	sor.u32 s20, s26;
	v23 =	vor.u32 $0x180, v2;
	[tilespmem:s25+$0x280] =	vst v16;
	v7 =	vld.idx.msk [tilespmem:v7+s12+$0x0], $0xffff  }
0xf0: {  	s30 =	sand.u32 $0x3, s1;
	[tilespmem:s16+$0x15000] =	vst v17;
	v16 =	vld.idx.msk [tilespmem:v18+s12+$0x0], $0xffff  }
0xf1: {  	s5 =	sshll.u32 s30, $0x5;
	v6 =	vor.u32 $0x380, v6;
	[tilespmem:s25+$0x210] =	vst v19;
	v10 =	vld.idx.msk [tilespmem:v20+s12+$0x0], $0xffff  }
0xf2: {  	s3 =	simm.s32 $0x8;
	s11 =	simm.s32 $0x8B0;
	s5 =	sadd.s32 $0x100, s5;
	v15 =	vor.u32 $0x100, v3;
	v9 =	vld.idx.msk [tilespmem:v9+s12+$0x0], $0xffff;
	[tilespmem:s24+$0x180] =	vst v11  }
0xf3: {  	s10 =	sadd.s32 $0x10, s5;
	s31 =	sor.u32 $0x380, s15;
	s15 =	simm.s32 $0x80;
	v17 =	vor.u32 $0x80, v4;
	v11 =	vld.idx.msk [tilespmem:v22+s12+$0x0], $0xffff;
	[tilespmem:s24+$0x110] =	vst v21  }
0xf4: {  	s2 =	sor.u32 $0x380, s28;
	s14 =	sor.u32 $0x300, s5;
	s0 =	simm.s32 $0x300;
	[tilespmem:s31+$0x15000] =	vst v13;
	v12 =	vor.u32 $0x300, v0;
	v18 =	vshll.u32 v14, $0x3;
	v13 =	vld.idx.msk [tilespmem:v23+s12+$0x0], $0xffff  }
.LBB2_5:
0xf5: {  	v19 =	vld [tilespmem:s11+$0x0];
	v14 =	vand.u32 $0x7F, v14;
	v18 =	vand.u32 $0xFFFFFC00, v18;
	s16 =	sadd.s32 $0x15000, s16;
	v20 =	vor.u32 $0x280, v1;
	[tilespmem:s14+$0x15000] =	vst v16;
	s14 =	sor.u32 $0x300, s10  }
0xf6: {  	s10 =	sor.u32 $0x380, s10;
	v18 =	vor.u32 v14, v18;
	v14 =	vshll.u32 v5, $0x3;
	[tilespmem:s16+$0x80] =	vst v10;
	v6 =	vld.idx.msk [tilespmem:v6+s12+$0x0], $0xffff  }
0xf7: {  	v5 =	vand.u32 $0x7F, v5;
	v10 =	vand.u32 $0xFFFFFC00, v14;
	v14 =	vld.idx.msk [tilespmem:v15+s12+$0x0], $0xffff;
	[tilespmem:s16+$0x10] =	vst v8;
	v8 =	vor.u32 $0x200, v2  }
0xf8: {  	v10 =	vor.u32 v5, v10;
	v15 =	vld.idx.msk [tilespmem:v17+s12+$0x0], $0xffff;
	[tilespmem:s25+$0x290] =	vst v9;
	s25 =	smov.u32 s24;
	s24 =	smov.u32 s16  }
0xf9: {  	v9 =	vor.u32 $0x180, v3;
	[tilespmem:s25+$0x200] =	vst v11;
	v11 =	vld.idx.msk [tilespmem:v12+s12+$0x0], $0xffff  }
0xfa: {  	v12 =	vor.u32 $0x100, v4;
	v16 =	vld.idx.msk [tilespmem:v20+s12+$0x0], $0xffff;
	[tilespmem:s25+$0x190] =	vst v13;
	v5 =	vmov v19  }
0xfb: {  	s5 =	sor.u32 $0x380, s5;
	v13 =	vld.idx.msk [tilespmem:v18+s12+$0x0], $0xffff;
	[tilespmem:s2+$0x15000] =	vst v7;
	s2 =	smov.u32 s10  }
0xfc: {  	v7 =	vor.u32 $0x300, v1;
	v17 =	vld.idx.msk [tilespmem:v8+s12+$0x0], $0xffff;
	[tilespmem:s5+$0x15000] =	vst v6  }
0xfd: {  	v6 =	vor.u32 $0x80, v18;
	v8 =	vld.idx.msk [tilespmem:v10+s12+$0x0], $0xffff;
	[tilespmem:s24+$0x100] =	vst v14  }
0xfe: {  	s7 =	sadd.s32 $0x20, s7;
	s6 =	sadd.s32 $0x100, s6;
	v19 =	vld.idx.msk [tilespmem:v9+s12+$0x0], $0xffff;
	[tilespmem:s24+$0x90] =	vst v15;
	v9 =	vor.u32 $0x280, v2  }
0xff: {  	s10 =	sand.u32 $0x60, s15;
	s15 =	sand.u32 $0x3C00, s6;
	s5 =	sand.u32 $0x7E0, s7;
	v12 =	vld.idx.msk [tilespmem:v12+s12+$0x0], $0xffff;
	[tilespmem:s14+$0x15000] =	vst v11;
	v11 =	vor.u32 $0x380, v0;
	v0 =	vmovc v2;
	v2 =	vmov v4;
	v4 =	vmov v10  }
0x100: {  	s3 =	sadd.s32 $0x2, s3;
	v20 =	vor.u32 $0x200, v3;
	s16 =	sor.u32 s10, s15;
	s15 =	smov.u32 s7;
	v14 =	vld [tilespmem:s5+$0x800];
	[tilespmem:s25+$0x280] =	vst v16  }
0x101: {  	p0 =	slt.u32 s3, $0x7E;
	[tilespmem:s16+$0x15000] =	vst v13;
	v13 =	vor.u32 $0x180, v2;
	v16 =	vld.idx.msk [tilespmem:v7+s12+$0x0], $0xffff  }
.Ltmp3:
0x102: {  	s1 =	sadd.s32 $0x1, s1;
	v10 =	vld.idx.msk [tilespmem:v6+s12+$0x0], $0xffff;
	[tilespmem:s25+$0x210] =	vst v17;
	(pc) =	sbr.rel @p0 .LBB2_5-.Ltmp3, $4  }
0x103: {  	s5 =	sand.u32 $0x3, s1;
	v6 =	vor.u32 $0x380, v1;
	v1 =	vmov v3;
	v3 =	vmov v18;
	v9 =	vld.idx.msk [tilespmem:v9+s12+$0x0], $0xffff  }
0x104: {  	s5 =	sshll.u32 s5, $0x5;
	v15 =	vor.u32 $0x100, v3;
	[tilespmem:s24+$0x180] =	vst v19;
	v7 =	vld.idx.msk [tilespmem:v11+s12+$0x0], $0xffff  }
0x105: {  	v17 =	vor.u32 $0x80, v4;
	s5 =	sadd.s32 s5, s23;
	s23 =	smov.u32 s0;
	s0 =	smov.u32 s6;
	v11 =	vld.idx.msk [tilespmem:v20+s12+$0x0], $0xffff;
	[tilespmem:s24+$0x110] =	vst v12  }
0x106: {  	s11 =	sadd.s32 $0x20, s11;
	s14 =	sor.u32 $0x300, s5;
	s10 =	sadd.s32 $0x10, s5;
	v18 =	vshll.u32 v14, $0x3;
	v12 =	vor.u32 $0x300, v0;
	v13 =	vld.idx.msk [tilespmem:v13+s12+$0x0], $0xffff  }
0x107: {  	v14 =	vand.u32 $0x7F, v14;
	v18 =	vand.u32 $0xFFFFFC00, v18;
	v19 =	vshll.u32 v5, $0x3  }
0x108: {  	v5 =	vand.u32 $0x7F, v5;
	v14 =	vor.u32 v14, v18;
	v18 =	vand.u32 $0xFFFFFC00, v19  }
0x109: {  	v5 =	vor.u32 v5, v18;
	_ =	sdelay $0x3  }
0x10a: {  	v18 =	vld.idx.msk [tilespmem:v14+s12+$0x0], $0xffff  }
0x10b: {  	[tilespmem:s14+$0x15000] =	vst v16;
	s7 =	sadd.s32 $0x15000, s16;
	v19 =	vor.u32 $0x80, v14;
	v20 =	vld.idx.msk [tilespmem:v5+s12+$0x0], $0xffff  }
0x10c: {  	s3 =	sadd.s32 $0x100, s6;
	[tilespmem:s7+$0x10] =	vst v8;
	v21 =	vor.u32 $0x80, v5  }
0x10d: {  	s26 =	sand.u32 $0x60, s15;
	s11 =	sand.u32 $0x3C00, s3;
	[tilespmem:s7+$0x80] =	vst v10  }
0x10e: {  	s6 =	sor.u32 s26, s11;
	v8 =	vld.idx.msk [tilespmem:v17+s12+$0x0], $0xffff;
	[tilespmem:s24+$0x200] =	vst v11  }
0x10f: {  	v11 =	vld.idx.msk [tilespmem:v15+s12+$0x0], $0xffff;
	[tilespmem:s6+$0x15000] =	vst v18;
	s6 =	sadd.s32 $0x15000, s6  }
0x110: {  	v16 =	vor.u32 $0x100, v4;
	v17 =	vld.idx.msk [tilespmem:v19+s12+$0x0], $0xffff;
	[tilespmem:s6+$0x10] =	vst v20  }
0x111: {  	v10 =	vor.u32 $0x100, v14;
	v18 =	vld.idx.msk [tilespmem:v21+s12+$0x0], $0xffff  }
0x112: {  	[tilespmem:s25+$0x290] =	vst v9;
	v9 =	vor.u32 $0x100, v5  }
0x113: {  	[tilespmem:s7+$0x90] =	vst v8  }
0x114: {  	v6 =	vld.idx.msk [tilespmem:v6+s12+$0x0], $0xffff;
	v8 =	vor.u32 $0x180, v3;
	[tilespmem:s7+$0x100] =	vst v11  }
0x115: {  	v15 =	vld.idx.msk [tilespmem:v16+s12+$0x0], $0xffff;
	v11 =	vor.u32 $0x200, v2;
	[tilespmem:s6+$0x80] =	vst v17  }
0x116: {  	v16 =	vor.u32 $0x180, v4;
	v10 =	vld.idx.msk [tilespmem:v10+s12+$0x0], $0xffff;
	[tilespmem:s6+$0x90] =	vst v18  }
0x117: {  	[tilespmem:s24+$0x190] =	vst v13;
	v13 =	vor.u32 $0x180, v14;
	v9 =	vld.idx.msk [tilespmem:v9+s12+$0x0], $0xffff  }
0x118: {  	[tilespmem:s2+$0x15000] =	vst v7;
	v12 =	vld.idx.msk [tilespmem:v12+s12+$0x0], $0xffff;
	s11 =	sor.u32 $0x380, s5;
	v7 =	vor.u32 $0x180, v5  }
0x119: {  	[tilespmem:s11+$0x15000] =	vst v6;
	v8 =	vld.idx.msk [tilespmem:v8+s12+$0x0], $0xffff;
	v17 =	vor.u32 $0x280, v1  }
0x11a: {  	[tilespmem:s7+$0x110] =	vst v15;
	v15 =	vor.u32 $0x200, v3;
	v11 =	vld.idx.msk [tilespmem:v11+s12+$0x0], $0xffff  }
0x11b: {  	v16 =	vld.idx.msk [tilespmem:v16+s12+$0x0], $0xffff;
	[tilespmem:s6+$0x100] =	vst v10  }
0x11c: {  	s14 =	sor.u32 $0x300, s10;
	v10 =	vor.u32 $0x200, v4;
	v13 =	vld.idx.msk [tilespmem:v13+s12+$0x0], $0xffff;
	[tilespmem:s6+$0x110] =	vst v9  }
0x11d: {  	v6 =	vor.u32 $0x200, v14;
	[tilespmem:s14+$0x15000] =	vst v12;
	v7 =	vld.idx.msk [tilespmem:v7+s12+$0x0], $0xffff  }
0x11e: {  	v12 =	vor.u32 $0x200, v5;
	[tilespmem:s7+$0x180] =	vst v8;
	v9 =	vld.idx.msk [tilespmem:v17+s12+$0x0], $0xffff  }
0x11f: {  	v8 =	vor.u32 $0x280, v2;
	v15 =	vld.idx.msk [tilespmem:v15+s12+$0x0], $0xffff;
	[tilespmem:s24+$0x210] =	vst v11  }
0x120: {  	[tilespmem:s7+$0x190] =	vst v16;
	v16 =	vor.u32 $0x280, v3  }
0x121: {  	v17 =	vor.u32 $0x300, v1;
	v10 =	vld.idx.msk [tilespmem:v10+s12+$0x0], $0xffff;
	[tilespmem:s6+$0x180] =	vst v13  }
0x122: {  	v13 =	vor.u32 $0x280, v4;
	v6 =	vld.idx.msk [tilespmem:v6+s12+$0x0], $0xffff;
	[tilespmem:s6+$0x190] =	vst v7  }
0x123: {  	[tilespmem:s24+$0x280] =	vst v9;
	v7 =	vor.u32 $0x280, v14;
	v9 =	vld.idx.msk [tilespmem:v12+s12+$0x0], $0xffff  }
0x124: {  	v11 =	vor.u32 $0x280, v5;
	v8 =	vld.idx.msk [tilespmem:v8+s12+$0x0], $0xffff;
	[tilespmem:s7+$0x200] =	vst v15  }
0x125: {  	v0 =	vor.u32 $0x380, v0;
	v16 =	vld.idx.msk [tilespmem:v16+s12+$0x0], $0xffff  }
0x126: {  	s1 =	sadd.s32 $0x1, s1;
	v15 =	vor.u32 $0x300, v2;
	v12 =	vld.idx.msk [tilespmem:v17+s12+$0x0], $0xffff;
	[tilespmem:s7+$0x210] =	vst v10  }
0x127: {  	s15 =	sand.u32 $0x3, s1;
	v10 =	vor.u32 $0x300, v3;
	v13 =	vld.idx.msk [tilespmem:v13+s12+$0x0], $0xffff;
	[tilespmem:s6+$0x200] =	vst v6  }
0x128: {  	s2 =	sshll.u32 s15, $0x5;
	v6 =	vor.u32 $0x300, v4;
	v7 =	vld.idx.msk [tilespmem:v7+s12+$0x0], $0xffff;
	[tilespmem:s6+$0x210] =	vst v9  }
0x129: {  	s2 =	sadd.s32 s2, s23;
	[tilespmem:s24+$0x290] =	vst v8;
	v9 =	vor.u32 $0x300, v14;
	v11 =	vld.idx.msk [tilespmem:v11+s12+$0x0], $0xffff  }
0x12a: {  	s16 =	sor.u32 $0x300, s2;
	v0 =	vld.idx.msk [tilespmem:v0+s12+$0x0], $0xffff;
	v8 =	vor.u32 $0x300, v5;
	[tilespmem:s7+$0x280] =	vst v16  }
0x12b: {  	v1 =	vor.u32 $0x380, v1;
	[tilespmem:s16+$0x15000] =	vst v12;
	v12 =	vld.idx.msk [tilespmem:v15+s12+$0x0], $0xffff  }
0x12c: {  	s1 =	sadd.s32 $0x1, s1;
	v2 =	vor.u32 $0x380, v2;
	v10 =	vld.idx.msk [tilespmem:v10+s12+$0x0], $0xffff;
	[tilespmem:s7+$0x290] =	vst v13  }
0x12d: {  	s17 =	sor.u32 $0x380, s10;
	s18 =	sand.u32 $0x3, s1;
	v3 =	vor.u32 $0x380, v3;
	v6 =	vld.idx.msk [tilespmem:v6+s12+$0x0], $0xffff;
	[tilespmem:s6+$0x280] =	vst v7  }
0x12e: {  	s1 =	sadd.s32 $0x1, s1;
	s19 =	sadd.s32 $0x10, s2;
	v4 =	vor.u32 $0x380, v4;
	s7 =	sshll.u32 s18, $0x5;
	v7 =	vld.idx.msk [tilespmem:v9+s12+$0x0], $0xffff;
	[tilespmem:s6+$0x290] =	vst v11  }
0x12f: {  	s1 =	sand.u32 $0x3, s1;
	s20 =	sor.u32 $0x300, s19;
	[tilespmem:s17+$0x15000] =	vst v0;
	v0 =	vor.u32 $0x380, v14;
	s0 =	sadd.s32 s7, s0;
	v8 =	vld.idx.msk [tilespmem:v8+s12+$0x0], $0xffff  }
0x130: {  	s1 =	sshll.u32 s1, $0x5;
	v5 =	vor.u32 $0x380, v5;
	v1 =	vld.idx.msk [tilespmem:v1+s12+$0x0], $0xffff;
	[tilespmem:s20+$0x15000] =	vst v12;
	s23 =	sor.u32 $0x300, s0;
	s24 =	sadd.s32 $0x10, s0  }
0x131: {  	s1 =	sadd.s32 s1, s3;
	v2 =	vld.idx.msk [tilespmem:v2+s12+$0x0], $0xffff;
	s25 =	sor.u32 $0x300, s24;
	[tilespmem:s23+$0x15000] =	vst v10  }
0x132: {  	s3 =	sor.u32 $0x300, s1;
	s26 =	sadd.s32 $0x10, s1;
	v3 =	vld.idx.msk [tilespmem:v3+s12+$0x0], $0xffff;
	[tilespmem:s25+$0x15000] =	vst v6  }
0x133: {  	s7 =	sor.u32 $0x300, s26;
	v4 =	vld.idx.msk [tilespmem:v4+s12+$0x0], $0xffff;
	[tilespmem:s3+$0x15000] =	vst v7  }
0x134: {  	s2 =	sor.u32 $0x380, s2;
	v0 =	vld.idx.msk [tilespmem:v0+s12+$0x0], $0xffff;
	[tilespmem:s7+$0x15000] =	vst v8  }
0x135: {  	s11 =	sor.u32 $0x380, s19;
	[tilespmem:s2+$0x15000] =	vst v1;
	v1 =	vld.idx.msk [tilespmem:v5+s12+$0x0], $0xffff  }
0x136: {  	s0 =	sor.u32 $0x380, s0;
	[tilespmem:s11+$0x15000] =	vst v2  }
0x137: {  	s14 =	sor.u32 $0x380, s24;
	[tilespmem:s0+$0x15000] =	vst v3  }
0x138: {  	s15 =	sor.u32 $0x380, s1;
	[tilespmem:s14+$0x15000] =	vst v4  }
0x139: {  	s16 =	sor.u32 $0x380, s26;
	[tilespmem:s15+$0x15000] =	vst v0  }
0x13a: {  	[tilespmem:s16+$0x15000] =	vst v1  }
0x13b: {  	p0 =	seq.s32 s21, $0xF;
	s17 =	sadd.s32 s22, s8;
	[bflag:$0x0] =	sbarrier.arrive $0xFFFF  }
0x13c: {  	[hbm4b:s17+s4] =	stream.linear.scatter [tilespmem:s9], [sflag:$0x4], $0x4000, $0x38;
	[tilespmem:$0x19000] =	vst v63  }
0x13d: {  	s1 =	simm.s32 @!p0 $0x0;
	s0 =	rddreg [dreg:$0x7]  }
0x13e: {  	s18 =	simm.s32 $0x2;
	s2 =	simm.s32 @!p0 $0x1000;
	s0 =	sadd.s32 @!p0 s22, s0  }
0x13f: {  	[tilespmem:s2], [sflag:$0x1] =	stream.linear.gather @!p0 [hbm4b:s0+s1], $0x8000, $0x38;
	[tilespmem:$0x19000] =	vst v63  }
0x140: {  	_ =	swait.ge [sflag:s18], $0x8000  }
0x141: {  	[sflag:s18] =	ssyncset.done $0x0  }
0x142: {  	s19 =	simm.s32 $0x3;
	s1 =	simm.s32 $0x0;
	[sflag:s18] =	ssyncadd.s32 $0xFFFF8000  }
0x143: {  	s20 =	sand.u32 $0x60, s1;
	_ =	swait.ge [sflag:s19], $0x4000  }
0x144: {  	s24 =	sand.u32 $0x780, s1;
	s23 =	sor.u32 $0x10, s20;
	[sflag:s19] =	ssyncset.done $0x0  }
0x145: {  	s0 =	sor.u32 s23, s24;
	[sflag:s19] =	ssyncadd.s32 $0xFFFFC000  }
0x146: {  	v0 =	vld [tilespmem:s0+$0x0];
	_ =	sdelay $0x3  }
0x147: {  	v2 =	vld [tilespmem:s1+$0x0]  }
0x148: {  	v1 =	vshll.u32 v0, $0x3  }
0x149: {  	v0 =	vand.u32 $0x7F, v0;
	v1 =	vand.u32 $0xFFFFFC00, v1  }
0x14a: {  	s25 =	simm.s32 $0x20;
	v5 =	vor.u32 v0, v1  }
0x14b: {  	s26 =	sand.u32 $0x60, s25  }
0x14c: {  	s10 =	sand.u32 $0x780, s25;
	s9 =	sor.u32 $0x10, s26;
	v0 =	vshll.u32 v2, $0x3  }
0x14d: {  	s7 =	sor.u32 s9, s10;
	v1 =	vand.u32 $0x7F, v2;
	v0 =	vand.u32 $0xFFFFFC00, v0  }
0x14e: {  	v6 =	vor.u32 v1, v0;
	v0 =	vld [tilespmem:s7+$0x0]  }
0x14f: {  	v2 =	vld.idx.msk [tilespmem:v5+s13+$0x0], $0xffff  }
0x150: {  	v1 =	vor.u32 $0x80, v5  }
0x151: {  	s11 =	sand.u32 $0x3C00, s1  }
0x152: {  	s7 =	sadd.s32 $0x11000, s11  }
0x153: {  	s2 =	sor.u32 s23, s7;
	v3 =	vld.idx.msk [tilespmem:v6+s13+$0x0], $0xffff  }
0x154: {  	v4 =	vor.u32 $0x80, v6;
	[tilespmem:s2+$0x0] =	vst v2;
	v2 =	vshll.u32 v0, $0x3  }
0x155: {  	v0 =	vand.u32 $0x7F, v0;
	v7 =	vld.idx.msk [tilespmem:v1+s13+$0x0], $0xffff;
	v1 =	vand.u32 $0xFFFFFC00, v2  }
0x156: {  	v1 =	vor.u32 v0, v1;
	v0 =	vld [tilespmem:s25+$0x0]  }
0x157: {  	s3 =	sor.u32 s20, s7  }
0x158: {  	s14 =	simm.s32 $0x40;
	v2 =	vor.u32 $0x100, v5;
	[tilespmem:s3+$0x0] =	vst v3  }
0x159: {  	s15 =	sand.u32 $0x60, s14;
	v3 =	vld.idx.msk [tilespmem:v4+s13+$0x0], $0xffff  }
0x15a: {  	s16 =	sor.u32 $0x10, s15;
	s17 =	sand.u32 $0x780, s14;
	v8 =	vor.u32 $0x100, v6  }
0x15b: {  	s11 =	sor.u32 s16, s17;
	[tilespmem:s2+$0x80] =	vst v7;
	v7 =	vld.idx.msk [tilespmem:v1+s13+$0x0], $0xffff;
	v4 =	vshll.u32 v0, $0x3  }
0x15c: {  	v10 =	vld [tilespmem:s11+$0x0];
	s25 =	simm.s32 $0x100;
	v9 =	vor.u32 $0x80, v1;
	v0 =	vand.u32 $0x7F, v0;
	v4 =	vand.u32 $0xFFFFFC00, v4  }
0x15d: {  	s18 =	sand.u32 $0x3C00, s25;
	v2 =	vld.idx.msk [tilespmem:v2+s13+$0x0], $0xffff;
	v4 =	vor.u32 v0, v4  }
0x15e: {  	s11 =	sadd.s32 $0x11000, s18;
	[tilespmem:s3+$0x80] =	vst v3;
	v0 =	vor.u32 $0x180, v5  }
0x15f: {  	s29 =	sor.u32 s9, s11;
	v3 =	vld.idx.msk [tilespmem:v8+s13+$0x0], $0xffff  }
0x160: {  	[tilespmem:s29+$0x0] =	vst v7;
	v7 =	vor.u32 $0x180, v6  }
0x161: {  	v8 =	vld.idx.msk [tilespmem:v9+s13+$0x0], $0xffff  }
0x162: {  	v11 =	vor.u32 $0x100, v1;
	[tilespmem:s2+$0x100] =	vst v2;
	v2 =	vshll.u32 v10, $0x3;
	v9 =	vld.idx.msk [tilespmem:v4+s13+$0x0], $0xffff  }
0x163: {  	v13 =	vor.u32 $0x80, v4;
	v2 =	vand.u32 $0xFFFFFC00, v2;
	v12 =	vld.idx.msk [tilespmem:v0+s13+$0x0], $0xffff;
	v0 =	vand.u32 $0x7F, v10  }
0x164: {  	[tilespmem:s3+$0x100] =	vst v3;
	v0 =	vor.u32 v0, v2;
	v2 =	vld [tilespmem:s14+$0x0]  }
0x165: {  	v3 =	vor.u32 $0x200, v5;
	v7 =	vld.idx.msk [tilespmem:v7+s13+$0x0], $0xffff  }
0x166: {  	s30 =	sor.u32 s26, s11;
	[tilespmem:s29+$0x80] =	vst v8;
	v8 =	vor.u32 $0x200, v6  }
0x167: {  	[tilespmem:s30+$0x0] =	vst v9;
	v9 =	vld.idx.msk [tilespmem:v11+s13+$0x0], $0xffff  }
0x168: {  	s19 =	simm.s32 $0x60;
	v11 =	vor.u32 $0x180, v1;
	v10 =	vld.idx.msk [tilespmem:v13+s13+$0x0], $0xffff  }
0x169: {  	s0 =	sand.u32 $0x60, s19;
	v14 =	vor.u32 $0x100, v4;
	[tilespmem:s2+$0x180] =	vst v12;
	v12 =	vld.idx.msk [tilespmem:v0+s13+$0x0], $0xffff;
	v13 =	vshll.u32 v2, $0x3  }
0x16a: {  	s23 =	simm.s32 $0x200;
	s20 =	sor.u32 $0x10, s0;
	s26 =	sand.u32 $0x780, s19;
	v15 =	vor.u32 $0x80, v0;
	v3 =	vld.idx.msk [tilespmem:v3+s13+$0x0], $0xffff;
	v2 =	vand.u32 $0x7F, v2;
	v13 =	vand.u32 $0xFFFFFC00, v13;
	[tilespmem:s3+$0x180] =	vst v7  }
0x16b: {  	s9 =	sand.u32 $0x3C00, s23;
	s11 =	sor.u32 s20, s26;
	v2 =	vor.u32 v2, v13;
	v7 =	vld.idx.msk [tilespmem:v8+s13+$0x0], $0xffff  }
0x16c: {  	s14 =	sadd.s32 $0x11000, s9;
	v8 =	vld [tilespmem:s11+$0x0];
	[tilespmem:s29+$0x100] =	vst v9;
	v9 =	vor.u32 $0x280, v6  }
0x16d: {  	s24 =	sor.u32 s16, s14;
	[tilespmem:s30+$0x80] =	vst v10;
	v10 =	vld.idx.msk [tilespmem:v11+s13+$0x0], $0xffff;
	v11 =	vor.u32 $0x280, v5  }
0x16e: {  	[tilespmem:s24+$0x0] =	vst v12;
	v12 =	vld.idx.msk [tilespmem:v14+s13+$0x0], $0xffff  }
0x16f: {  	v13 =	vor.u32 $0x200, v1;
	v14 =	vld.idx.msk [tilespmem:v15+s13+$0x0], $0xffff  }
0x170: {  	v16 =	vor.u32 $0x180, v4;
	v15 =	vld.idx.msk [tilespmem:v2+s13+$0x0], $0xffff;
	[tilespmem:s3+$0x200] =	vst v7  }
0x171: {  	[tilespmem:s2+$0x200] =	vst v3;
	v3 =	vshll.u32 v8, $0x3;
	v7 =	vor.u32 $0x100, v0;
	v9 =	vld.idx.msk [tilespmem:v9+s13+$0x0], $0xffff  }
0x172: {  	v17 =	vor.u32 $0x80, v2;
	v8 =	vand.u32 $0x7F, v8;
	v3 =	vand.u32 $0xFFFFFC00, v3;
	[tilespmem:s29+$0x180] =	vst v10;
	v10 =	vld.idx.msk [tilespmem:v11+s13+$0x0], $0xffff  }
0x173: {  	v3 =	vor.u32 v8, v3;
	v11 =	vld [tilespmem:s19+$0x0]  }
0x174: {  	v8 =	vld.idx.msk [tilespmem:v13+s13+$0x0], $0xffff;
	[tilespmem:s30+$0x100] =	vst v12;
	v12 =	vor.u32 $0x300, v5  }
0x175: {  	s28 =	sor.u32 s15, s14;
	[tilespmem:s24+$0x80] =	vst v14;
	v13 =	vor.u32 $0x300, v6;
	v14 =	vld.idx.msk [tilespmem:v16+s13+$0x0], $0xffff  }
0x176: {  	[tilespmem:s28+$0x0] =	vst v15;
	v7 =	vld.idx.msk [tilespmem:v7+s13+$0x0], $0xffff  }
0x177: {  	s11 =	simm.s32 $0x80;
	v16 =	vor.u32 $0x200, v4;
	v15 =	vld.idx.msk [tilespmem:v17+s13+$0x0], $0xffff  }
0x178: {  	v18 =	vor.u32 $0x180, v0;
	s7 =	sand.u32 $0x60, s11;
	v17 =	vld.idx.msk [tilespmem:v3+s13+$0x0], $0xffff;
	[tilespmem:s2+$0x280] =	vst v10  }
0x179: {  	s15 =	sand.u32 $0x780, s11;
	s10 =	sor.u32 $0x10, s7;
	[tilespmem:s3+$0x280] =	vst v9;
	v9 =	vor.u32 $0x100, v2;
	v10 =	vld.idx.msk [tilespmem:v12+s13+$0x0], $0xffff  }
0x17a: {  	s1 =	sand.u32 $0x3, s1;
	s26 =	simm.s32 $0x300;
	s2 =	sor.u32 s10, s15;
	v12 =	vor.u32 $0x80, v3;
	v13 =	vld.idx.msk [tilespmem:v13+s13+$0x0], $0xffff  }
0x17b: {  	s1 =	sshll.u32 s1, $0x5;
	v63 =	vor.u32 $0x380, v5;
	s16 =	sand.u32 $0x3C00, s26;
	v19 =	vshll.u32 v11, $0x3;
	v20 =	vld [tilespmem:s2+$0x0];
	[tilespmem:s30+$0x180] =	vst v14  }
0x17c: {  	v6 =	vor.u32 $0x380, v6;
	s3 =	sadd.s32 $0x11000, s16;
	s16 =	sadd.s32 $0x0, s1;
	v11 =	vand.u32 $0x7F, v11;
	v5 =	vand.u32 $0xFFFFFC00, v19;
	[tilespmem:s24+$0x100] =	vst v7;
	v7 =	vld.idx.msk [tilespmem:v16+s13+$0x0], $0xffff  }
0x17d: {  	s14 =	sadd.s32 $0x10, s16;
	s2 =	sor.u32 s20, s3;
	v5 =	vor.u32 v11, v5;
	[tilespmem:s28+$0x80] =	vst v15;
	v16 =	vld.idx.msk [tilespmem:v18+s13+$0x0], $0xffff  }
0x17e: {  	v19 =	vor.u32 $0x280, v4;
	s17 =	sor.u32 $0x300, s14;
	v14 =	vld.idx.msk [tilespmem:v9+s13+$0x0], $0xffff;
	[tilespmem:s2+$0x0] =	vst v17  }
0x17f: {  	s18 =	sor.u32 $0x300, s16;
	v17 =	vor.u32 $0x280, v1;
	v15 =	vld.idx.msk [tilespmem:v12+s13+$0x0], $0xffff;
	[tilespmem:s17+$0x11000] =	vst v10  }
0x180: {  	v18 =	vor.u32 $0x200, v0;
	[tilespmem:s18+$0x11000] =	vst v13;
	v12 =	vld.idx.msk [tilespmem:v63+s13+$0x0], $0xffff  }
0x181: {  	s19 =	simm.s32 $0x1;
	[tilespmem:s29+$0x200] =	vst v8;
	v11 =	vld.idx.msk [tilespmem:v6+s13+$0x0], $0xffff  }
0x182: {  	s31 =	simm.s32 $0x400;
	s5 =	simm.s32 $0xA0;
	s6 =	sand.u32 $0x3, s19;
	v8 =	vor.u32 $0x80, v5;
	v9 =	vshll.u32 v20, $0x3;
	v10 =	vor.u32 $0x180, v2;
	v13 =	vld.idx.msk [tilespmem:v5+s13+$0x0], $0xffff;
	[tilespmem:s30+$0x200] =	vst v7  }
0x183: {  	s1 =	simm.s32 $0x2;
	s15 =	simm.s32 $0xA0;
	s20 =	simm.s32 $0x8;
	v6 =	vand.u32 $0x7F, v20;
	v7 =	vand.u32 $0xFFFFFC00, v9;
	v9 =	vor.u32 $0x100, v3;
	[tilespmem:s24+$0x180] =	vst v16;
	v16 =	vld.idx.msk [tilespmem:v19+s13+$0x0], $0xffff  }
.LBB2_7:
0x184: {  	s18 =	sand.u32 $0x60, s5;
	s20 =	sadd.s32 $0x2, s20;
	[tilespmem:s28+$0x100] =	vst v14;
	v14 =	vld.idx.msk [tilespmem:v17+s13+$0x0], $0xffff;
	s16 =	sor.u32 $0x380, s16  }
0x185: {  	s19 =	sand.u32 $0x780, s5;
	v6 =	vor.u32 v6, v7;
	s14 =	sor.u32 $0x380, s14;
	s17 =	sor.u32 $0x10, s18;
	[tilespmem:s2+$0x80] =	vst v15;
	v7 =	vld.idx.msk [tilespmem:v18+s13+$0x0], $0xffff  }
0x186: {  	s9 =	sand.u32 $0x3, s1;
	v17 =	vor.u32 $0x300, v4;
	p1 =	slt.u32 s20, $0x7E;
	v18 =	vor.u32 $0x300, v1;
	s19 =	sor.u32 s17, s19;
	v15 =	vld [tilespmem:s11+$0x0];
	[tilespmem:s14+$0x11000] =	vst v12  }
0x187: {  	s3 =	sor.u32 s0, s3;
	s0 =	smov.u32 s7;
	s7 =	smov.u32 s18;
	v10 =	vld.idx.msk [tilespmem:v10+s13+$0x0], $0xffff;
	[tilespmem:s16+$0x11000] =	vst v11  }
0x188: {  	s11 =	smov.u32 s15;
	[tilespmem:s3+$0x0] =	vst v13;
	v9 =	vld.idx.msk [tilespmem:v9+s13+$0x0], $0xffff  }
0x189: {  	v11 =	vor.u32 $0x200, v2;
	v8 =	vld.idx.msk [tilespmem:v8+s13+$0x0], $0xffff;
	[tilespmem:s30+$0x280] =	vst v16;
	s30 =	smov.u32 s28;
	s28 =	smov.u32 s3  }
0x18a: {  	v13 =	vor.u32 $0x180, v3;
	v12 =	vld.idx.msk [tilespmem:v6+s13+$0x0], $0xffff;
	[tilespmem:s29+$0x280] =	vst v14;
	s29 =	smov.u32 s24;
	s24 =	smov.u32 s2  }
0x18b: {  	v16 =	vor.u32 $0x100, v5;
	v14 =	vshll.u32 v15, $0x3;
	[tilespmem:s29+$0x200] =	vst v7;
	v7 =	vld.idx.msk [tilespmem:v18+s13+$0x0], $0xffff  }
0x18c: {  	v18 =	vor.u32 $0x80, v6;
	v14 =	vand.u32 $0xFFFFFC00, v14;
	v19 =	vld.idx.msk [tilespmem:v17+s13+$0x0], $0xffff  }
0x18d: {  	v21 =	vor.u32 $0x380, v1;
	v1 =	vmovc v0;
	v0 =	vmovc v3;
	s14 =	sshll.u32 s6, $0x5;
	s6 =	smov.u32 s9;
	v3 =	vmov v6;
	s2 =	sand.u32 $0x3C00, s31;
	v20 =	vld [tilespmem:s19+$0x0];
	[tilespmem:s30+$0x180] =	vst v10;
	v10 =	vor.u32 $0x380, v4  }
0x18e: {  	s16 =	sadd.s32 s14, s25;
	s25 =	smov.u32 s23;
	v6 =	vand.u32 $0x7F, v15;
	s3 =	sadd.s32 $0x11000, s2;
	v4 =	vmov v2;
	v2 =	vmov v5;
	[tilespmem:s24+$0x100] =	vst v9;
	v9 =	vld.idx.msk [tilespmem:v11+s13+$0x0], $0xffff  }
0x18f: {  	s14 =	sadd.s32 $0x10, s16;
	s2 =	sor.u32 s10, s3;
	s10 =	smov.u32 s17;
	v5 =	vor.u32 v6, v14;
	[tilespmem:s28+$0x80] =	vst v8;
	v22 =	vld.idx.msk [tilespmem:v13+s13+$0x0], $0xffff  }
0x190: {  	s23 =	smov.u32 s26;
	s9 =	sor.u32 $0x300, s16;
	s17 =	sor.u32 $0x300, s14;
	v8 =	vor.u32 $0x80, v5;
	[tilespmem:s2+$0x0] =	vst v12;
	v14 =	vld.idx.msk [tilespmem:v16+s13+$0x0], $0xffff;
	v16 =	vor.u32 $0x280, v4  }
.Ltmp4:
0x191: {  	s26 =	smov.u32 s31;
	v17 =	vor.u32 $0x280, v1;
	v15 =	vld.idx.msk [tilespmem:v18+s13+$0x0], $0xffff;
	[tilespmem:s17+$0x11000] =	vst v7;
	(pc) =	sbr.rel @p1 .LBB2_7-.Ltmp4, $4  }
0x192: {  	v18 =	vor.u32 $0x200, v0;
	v6 =	vand.u32 $0x7F, v20;
	v7 =	vshll.u32 v20, $0x3;
	[tilespmem:s9+$0x11000] =	vst v19;
	v12 =	vld.idx.msk [tilespmem:v21+s13+$0x0], $0xffff  }
0x193: {  	v7 =	vand.u32 $0xFFFFFC00, v7;
	v11 =	vld.idx.msk [tilespmem:v10+s13+$0x0], $0xffff  }
0x194: {  	s1 =	sadd.s32 $0x1, s1;
	v10 =	vor.u32 $0x180, v2;
	v13 =	vld.idx.msk [tilespmem:v5+s13+$0x0], $0xffff;
	[tilespmem:s30+$0x200] =	vst v9  }
0x195: {  	s5 =	sadd.s32 $0x20, s5;
	s15 =	sadd.s32 $0x20, s15;
	s31 =	sadd.s32 $0x100, s31;
	v9 =	vor.u32 $0x100, v3;
	[tilespmem:s24+$0x180] =	vst v22;
	v16 =	vld.idx.msk [tilespmem:v16+s13+$0x0], $0xffff  }
0x196: {  	v19 =	vld [tilespmem:s11+$0x0];
	_ =	sdelay $0x4  }
0x197: {  	v20 =	vshll.u32 v19, $0x3  }
0x198: {  	v7 =	vor.u32 v6, v7;
	v19 =	vand.u32 $0x7F, v19;
	v6 =	vand.u32 $0xFFFFFC00, v20  }
0x199: {  	v6 =	vor.u32 v19, v6;
	_ =	sdelay $0x3  }
0x19a: {  	[tilespmem:s28+$0x100] =	vst v14;
	v14 =	vld.idx.msk [tilespmem:v7+s13+$0x0], $0xffff  }
0x19b: {  	[tilespmem:s2+$0x80] =	vst v15;
	s5 =	sor.u32 $0x380, s14;
	v15 =	vor.u32 $0x80, v7;
	v19 =	vld.idx.msk [tilespmem:v6+s13+$0x0], $0xffff  }
0x19c: {  	s9 =	sor.u32 $0x380, s16;
	s14 =	sand.u32 $0x3C00, s31;
	[tilespmem:s5+$0x11000] =	vst v12;
	v12 =	vor.u32 $0x80, v6  }
0x19d: {  	v17 =	vld.idx.msk [tilespmem:v17+s13+$0x0], $0xffff;
	s15 =	sor.u32 s0, s3;
	s16 =	sadd.s32 $0x11000, s14;
	[tilespmem:s9+$0x11000] =	vst v11  }
0x19e: {  	v11 =	vld.idx.msk [tilespmem:v18+s13+$0x0], $0xffff;
	s17 =	sor.u32 s10, s16;
	[tilespmem:s15+$0x0] =	vst v13  }
0x19f: {  	s0 =	sor.u32 s7, s16;
	v13 =	vor.u32 $0x300, v1;
	v8 =	vld.idx.msk [tilespmem:v8+s13+$0x0], $0xffff;
	[tilespmem:s17+$0x0] =	vst v14  }
0x1a0: {  	v14 =	vor.u32 $0x100, v5;
	v15 =	vld.idx.msk [tilespmem:v15+s13+$0x0], $0xffff;
	[tilespmem:s0+$0x0] =	vst v19  }
0x1a1: {  	[tilespmem:s30+$0x280] =	vst v16;
	v16 =	vor.u32 $0x100, v7;
	v12 =	vld.idx.msk [tilespmem:v12+s13+$0x0], $0xffff  }
0x1a2: {  	v10 =	vld.idx.msk [tilespmem:v10+s13+$0x0], $0xffff;
	[tilespmem:s29+$0x280] =	vst v17;
	v17 =	vor.u32 $0x100, v6  }
0x1a3: {  	v9 =	vld.idx.msk [tilespmem:v9+s13+$0x0], $0xffff;
	[tilespmem:s24+$0x200] =	vst v11;
	v11 =	vor.u32 $0x200, v2  }
0x1a4: {  	v18 =	vor.u32 $0x300, v4;
	v13 =	vld.idx.msk [tilespmem:v13+s13+$0x0], $0xffff;
	[tilespmem:s15+$0x80] =	vst v8  }
0x1a5: {  	s6 =	sshll.u32 s6, $0x5;
	v8 =	vor.u32 $0x180, v3;
	v14 =	vld.idx.msk [tilespmem:v14+s13+$0x0], $0xffff;
	[tilespmem:s17+$0x80] =	vst v15  }
0x1a6: {  	s6 =	sadd.s32 s6, s25;
	v15 =	vor.u32 $0x180, v5;
	v16 =	vld.idx.msk [tilespmem:v16+s13+$0x0], $0xffff;
	[tilespmem:s0+$0x80] =	vst v12  }
0x1a7: {  	s18 =	sadd.s32 $0x10, s6;
	[tilespmem:s28+$0x180] =	vst v10;
	v10 =	vor.u32 $0x180, v7;
	v12 =	vld.idx.msk [tilespmem:v17+s13+$0x0], $0xffff  }
0x1a8: {  	s19 =	sor.u32 $0x300, s18;
	[tilespmem:s2+$0x100] =	vst v9;
	v9 =	vor.u32 $0x180, v6;
	v11 =	vld.idx.msk [tilespmem:v11+s13+$0x0], $0xffff  }
0x1a9: {  	v1 =	vor.u32 $0x380, v1;
	[tilespmem:s19+$0x11000] =	vst v13;
	v17 =	vld.idx.msk [tilespmem:v18+s13+$0x0], $0xffff  }
0x1aa: {  	v4 =	vor.u32 $0x380, v4;
	v8 =	vld.idx.msk [tilespmem:v8+s13+$0x0], $0xffff;
	[tilespmem:s15+$0x100] =	vst v14  }
0x1ab: {  	v13 =	vor.u32 $0x200, v3;
	v14 =	vld.idx.msk [tilespmem:v15+s13+$0x0], $0xffff;
	[tilespmem:s17+$0x100] =	vst v16  }
0x1ac: {  	v15 =	vor.u32 $0x200, v5;
	v10 =	vld.idx.msk [tilespmem:v10+s13+$0x0], $0xffff;
	[tilespmem:s0+$0x100] =	vst v12  }
0x1ad: {  	s20 =	sor.u32 $0x300, s6;
	[tilespmem:s28+$0x200] =	vst v11;
	v12 =	vor.u32 $0x200, v7;
	v9 =	vld.idx.msk [tilespmem:v9+s13+$0x0], $0xffff  }
0x1ae: {  	v1 =	vld.idx.msk [tilespmem:v1+s13+$0x0], $0xffff;
	v11 =	vor.u32 $0x200, v6;
	[tilespmem:s20+$0x11000] =	vst v17  }
0x1af: {  	[tilespmem:s2+$0x180] =	vst v8;
	v16 =	vor.u32 $0x280, v0;
	v4 =	vld.idx.msk [tilespmem:v4+s13+$0x0], $0xffff  }
0x1b0: {  	v8 =	vor.u32 $0x280, v2;
	v13 =	vld.idx.msk [tilespmem:v13+s13+$0x0], $0xffff;
	[tilespmem:s15+$0x180] =	vst v14  }
0x1b1: {  	v14 =	vld.idx.msk [tilespmem:v15+s13+$0x0], $0xffff;
	v15 =	vor.u32 $0x280, v3;
	[tilespmem:s17+$0x180] =	vst v10  }
0x1b2: {  	s7 =	sor.u32 $0x380, s18;
	v10 =	vor.u32 $0x280, v5;
	v12 =	vld.idx.msk [tilespmem:v12+s13+$0x0], $0xffff;
	[tilespmem:s0+$0x180] =	vst v9  }
0x1b3: {  	s6 =	sor.u32 $0x380, s6;
	[tilespmem:s7+$0x11000] =	vst v1;
	v9 =	vor.u32 $0x280, v7;
	v1 =	vld.idx.msk [tilespmem:v11+s13+$0x0], $0xffff  }
0x1b4: {  	[tilespmem:s6+$0x11000] =	vst v4;
	v4 =	vor.u32 $0x280, v6;
	v11 =	vld.idx.msk [tilespmem:v16+s13+$0x0], $0xffff  }
0x1b5: {  	v8 =	vld.idx.msk [tilespmem:v8+s13+$0x0], $0xffff;
	[tilespmem:s2+$0x200] =	vst v13;
	v16 =	vor.u32 $0x300, v0  }
0x1b6: {  	v13 =	vor.u32 $0x300, v2;
	[tilespmem:s15+$0x200] =	vst v14;
	v14 =	vld.idx.msk [tilespmem:v15+s13+$0x0], $0xffff  }
0x1b7: {  	v15 =	vor.u32 $0x300, v3;
	v10 =	vld.idx.msk [tilespmem:v10+s13+$0x0], $0xffff;
	[tilespmem:s17+$0x200] =	vst v12  }
0x1b8: {  	v12 =	vor.u32 $0x300, v5;
	[tilespmem:s0+$0x200] =	vst v1;
	v1 =	vld.idx.msk [tilespmem:v9+s13+$0x0], $0xffff  }
0x1b9: {  	[tilespmem:s24+$0x280] =	vst v11;
	v9 =	vor.u32 $0x300, v7;
	v4 =	vld.idx.msk [tilespmem:v4+s13+$0x0], $0xffff  }
0x1ba: {  	s25 =	sand.u32 $0x3, s1;
	[tilespmem:s28+$0x280] =	vst v8;
	v11 =	vor.u32 $0x300, v6;
	v8 =	vld.idx.msk [tilespmem:v16+s13+$0x0], $0xffff  }
0x1bb: {  	s28 =	sadd.s32 $0x1, s1;
	v13 =	vld.idx.msk [tilespmem:v13+s13+$0x0], $0xffff;
	s6 =	sshll.u32 s25, $0x5;
	v0 =	vor.u32 $0x380, v0;
	[tilespmem:s2+$0x280] =	vst v14  }
0x1bc: {  	v2 =	vor.u32 $0x380, v2;
	s29 =	sand.u32 $0x3, s28;
	s6 =	sadd.s32 s6, s23;
	[tilespmem:s15+$0x280] =	vst v10;
	v10 =	vld.idx.msk [tilespmem:v15+s13+$0x0], $0xffff  }
0x1bd: {  	s1 =	sadd.s32 $0x1, s28;
	v3 =	vor.u32 $0x380, v3;
	s30 =	sadd.s32 $0x10, s6;
	s2 =	sshll.u32 s29, $0x5;
	v12 =	vld.idx.msk [tilespmem:v12+s13+$0x0], $0xffff;
	[tilespmem:s17+$0x280] =	vst v1  }
0x1be: {  	s1 =	sand.u32 $0x3, s1;
	s7 =	sor.u32 $0x300, s30;
	s2 =	sadd.s32 s2, s26;
	v1 =	vor.u32 $0x380, v5;
	[tilespmem:s0+$0x280] =	vst v4;
	v4 =	vld.idx.msk [tilespmem:v9+s13+$0x0], $0xffff  }
0x1bf: {  	s1 =	sshll.u32 s1, $0x5;
	s9 =	sor.u32 $0x300, s6;
	s10 =	sadd.s32 $0x10, s2;
	v7 =	vor.u32 $0x380, v7;
	[tilespmem:s7+$0x11000] =	vst v8;
	v5 =	vld.idx.msk [tilespmem:v11+s13+$0x0], $0xffff  }
0x1c0: {  	s1 =	sadd.s32 s1, s31;
	[tilespmem:s9+$0x11000] =	vst v13;
	s11 =	sor.u32 $0x300, s10;
	v6 =	vor.u32 $0x380, v6;
	v0 =	vld.idx.msk [tilespmem:v0+s13+$0x0], $0xffff  }
0x1c1: {  	s15 =	sadd.s32 $0x10, s1;
	v2 =	vld.idx.msk [tilespmem:v2+s13+$0x0], $0xffff;
	s14 =	sor.u32 $0x300, s2;
	[tilespmem:s11+$0x11000] =	vst v10  }
0x1c2: {  	s16 =	sor.u32 $0x300, s15;
	v3 =	vld.idx.msk [tilespmem:v3+s13+$0x0], $0xffff;
	[tilespmem:s14+$0x11000] =	vst v12  }
0x1c3: {  	s17 =	sor.u32 $0x300, s1;
	v1 =	vld.idx.msk [tilespmem:v1+s13+$0x0], $0xffff;
	[tilespmem:s16+$0x11000] =	vst v4  }
0x1c4: {  	s5 =	sor.u32 $0x380, s30;
	[tilespmem:s17+$0x11000] =	vst v5;
	v4 =	vld.idx.msk [tilespmem:v7+s13+$0x0], $0xffff  }
0x1c5: {  	s6 =	sor.u32 $0x380, s6;
	[tilespmem:s5+$0x11000] =	vst v0;
	v0 =	vld.idx.msk [tilespmem:v6+s13+$0x0], $0xffff  }
0x1c6: {  	s3 =	sor.u32 $0x380, s10;
	[tilespmem:s6+$0x11000] =	vst v2  }
0x1c7: {  	s2 =	sor.u32 $0x380, s2;
	[tilespmem:s3+$0x11000] =	vst v3  }
0x1c8: {  	s0 =	sor.u32 $0x380, s15;
	[tilespmem:s2+$0x11000] =	vst v1  }
0x1c9: {  	s1 =	sor.u32 $0x380, s1;
	[tilespmem:s0+$0x11000] =	vst v4  }
0x1ca: {  	[tilespmem:s1+$0x11000] =	vst v0  }
0x1cb: {  	[bflag:$0x0] =	sbarrier.arrive $0xFFFF  }
0x1cc: {  	s22 =	sor.u32 $0x1000, s22;
	s20 =	simm.s32 $0x0;
	s18 =	rddreg [dreg:$0x2]  }
0x1cd: {  	s23 =	simm.s32 $0x11000;
	s24 =	simm.s32 $0x4;
	s19 =	sadd.s32 s18, s22  }
0x1ce: {  	[hbm4b:s19+s20] =	stream.linear.scatter [tilespmem:s23], [sflag:$0x3], $0x4000, $0x38;
	[tilespmem:$0x19000] =	vst v63  }
0x1cf: {  	_ =	swait.ge [sflag:s24], $0x4000  }
0x1d0: {  	[sflag:s24] =	ssyncset.done $0x0  }
0x1d1: {  	s25 =	sand.u32 $0x7E0, s20;
	[sflag:s24] =	ssyncadd.s32 $0xFFFFC000  }
0x1d2: {  	v0 =	vld [tilespmem:s25+$0x800];
	_ =	sdelay $0x4  }
0x1d3: {  	v1 =	vshll.u32 v0, $0x3  }
0x1d4: {  	v0 =	vand.u32 $0x7F, v0;
	v1 =	vand.u32 $0xFFFFFC00, v1  }
0x1d5: {  	s26 =	simm.s32 $0x810;
	v3 =	vor.u32 v0, v1  }
0x1d6: {  	v0 =	vld [tilespmem:s26+$0x0];
	_ =	sdelay $0x3  }
0x1d7: {  	v1 =	vld.idx.msk [tilespmem:v3+s13+$0x0], $0xffff  }
0x1d8: {  	s28 =	simm.s32 $0x20;
	v4 =	vor.u32 $0x80, v3;
	v2 =	vshll.u32 v0, $0x3  }
0x1d9: {  	s29 =	sand.u32 $0x7E0, s28;
	v0 =	vand.u32 $0x7F, v0;
	v2 =	vand.u32 $0xFFFFFC00, v2  }
0x1da: {  	s31 =	sand.u32 $0x3C00, s20;
	s30 =	sand.u32 $0x60, s20;
	v7 =	vor.u32 v0, v2;
	v0 =	vld [tilespmem:s29+$0x800]  }
0x1db: {  	s5 =	sor.u32 s30, s31  }
0x1dc: {  	[tilespmem:s5+$0x15000] =	vst v1  }
0x1dd: {  	v1 =	vld.idx.msk [tilespmem:v4+s13+$0x0], $0xffff  }
0x1de: {  	v2 =	vor.u32 $0x100, v3  }
0x1df: {  	v4 =	vld.idx.msk [tilespmem:v7+s13+$0x0], $0xffff;
	v6 =	vshll.u32 v0, $0x3  }
0x1e0: {  	s6 =	simm.s32 $0x830;
	v5 =	vor.u32 $0x80, v7;
	v0 =	vand.u32 $0x7F, v0;
	v6 =	vand.u32 $0xFFFFFC00, v6  }
0x1e1: {  	s1 =	sadd.s32 $0x15000, s5;
	v8 =	vld [tilespmem:s6+$0x0];
	v6 =	vor.u32 v0, v6  }
0x1e2: {  	[tilespmem:s1+$0x80] =	vst v1  }
0x1e3: {  	v0 =	vld.idx.msk [tilespmem:v2+s13+$0x0], $0xffff  }
0x1e4: {  	v1 =	vor.u32 $0x180, v3;
	[tilespmem:s1+$0x10] =	vst v4  }
0x1e5: {  	v2 =	vld.idx.msk [tilespmem:v5+s13+$0x0], $0xffff  }
0x1e6: {  	v4 =	vor.u32 $0x100, v7;
	v5 =	vshll.u32 v8, $0x3;
	v9 =	vld.idx.msk [tilespmem:v6+s13+$0x0], $0xffff  }
0x1e7: {  	s11 =	simm.s32 $0x850;
	v10 =	vor.u32 $0x80, v6;
	v8 =	vand.u32 $0x7F, v8;
	v5 =	vand.u32 $0xFFFFFC00, v5  }
0x1e8: {  	s9 =	simm.s32 $0x100;
	s7 =	simm.s32 $0x40;
	[tilespmem:s1+$0x100] =	vst v0;
	v0 =	vor.u32 v8, v5;
	v8 =	vld [tilespmem:s11+$0x0]  }
0x1e9: {  	s10 =	sand.u32 $0x7E0, s7;
	s2 =	sand.u32 $0x60, s28;
	s5 =	sand.u32 $0x3C00, s9;
	v1 =	vld.idx.msk [tilespmem:v1+s13+$0x0], $0xffff  }
0x1ea: {  	s2 =	sor.u32 s2, s5;
	v5 =	vor.u32 $0x200, v3;
	[tilespmem:s1+$0x90] =	vst v2;
	v2 =	vld [tilespmem:s10+$0x800]  }
0x1eb: {  	v4 =	vld.idx.msk [tilespmem:v4+s13+$0x0], $0xffff;
	[tilespmem:s2+$0x15000] =	vst v9  }
0x1ec: {  	v9 =	vor.u32 $0x180, v7;
	v10 =	vld.idx.msk [tilespmem:v10+s13+$0x0], $0xffff  }
0x1ed: {  	v12 =	vor.u32 $0x100, v6;
	v11 =	vld.idx.msk [tilespmem:v0+s13+$0x0], $0xffff  }
0x1ee: {  	v13 =	vor.u32 $0x80, v0;
	[tilespmem:s1+$0x180] =	vst v1  }
0x1ef: {  	s14 =	simm.s32 $0x870;
	v1 =	vshll.u32 v2, $0x3;
	v5 =	vld.idx.msk [tilespmem:v5+s13+$0x0], $0xffff  }
0x1f0: {  	v14 =	vld [tilespmem:s14+$0x0];
	s25 =	sadd.s32 $0x15000, s2;
	v2 =	vand.u32 $0x7F, v2;
	[tilespmem:s1+$0x110] =	vst v4;
	v1 =	vand.u32 $0xFFFFFC00, v1;
	v4 =	vor.u32 $0x280, v3  }
0x1f1: {  	v9 =	vld.idx.msk [tilespmem:v9+s13+$0x0], $0xffff;
	v1 =	vor.u32 v2, v1;
	v2 =	vshll.u32 v8, $0x3;
	[tilespmem:s25+$0x80] =	vst v10  }
0x1f2: {  	s15 =	simm.s32 $0x60;
	v8 =	vand.u32 $0x7F, v8;
	v10 =	vor.u32 $0x200, v7;
	v2 =	vand.u32 $0xFFFFFC00, v2;
	v12 =	vld.idx.msk [tilespmem:v12+s13+$0x0], $0xffff;
	[tilespmem:s25+$0x10] =	vst v11  }
0x1f3: {  	s16 =	sand.u32 $0x7E0, s15;
	v2 =	vor.u32 v8, v2;
	v11 =	vor.u32 $0x180, v6;
	v8 =	vld.idx.msk [tilespmem:v13+s13+$0x0], $0xffff  }
0x1f4: {  	v17 =	vld [tilespmem:s16+$0x800];
	[tilespmem:s1+$0x200] =	vst v5  }
0x1f5: {  	v5 =	vor.u32 $0x100, v0;
	v4 =	vld.idx.msk [tilespmem:v4+s13+$0x0], $0xffff  }
0x1f6: {  	v13 =	vor.u32 $0x300, v3;
	[tilespmem:s1+$0x190] =	vst v9;
	v9 =	vld.idx.msk [tilespmem:v1+s13+$0x0], $0xffff  }
0x1f7: {  	v15 =	vor.u32 $0x80, v1;
	v10 =	vld.idx.msk [tilespmem:v10+s13+$0x0], $0xffff;
	[tilespmem:s25+$0x100] =	vst v12  }
0x1f8: {  	s23 =	simm.s32 $0x200;
	v11 =	vld.idx.msk [tilespmem:v11+s13+$0x0], $0xffff;
	[tilespmem:s25+$0x90] =	vst v8;
	v8 =	vor.u32 $0x280, v7  }
0x1f9: {  	s3 =	sand.u32 $0x60, s7;
	s17 =	sand.u32 $0x3C00, s23;
	v12 =	vor.u32 $0x200, v6;
	v16 =	vld.idx.msk [tilespmem:v2+s13+$0x0], $0xffff  }
0x1fa: {  	s3 =	sor.u32 s3, s17;
	v5 =	vld.idx.msk [tilespmem:v5+s13+$0x0], $0xffff;
	[tilespmem:s1+$0x280] =	vst v4  }
0x1fb: {  	v4 =	vor.u32 $0x180, v0;
	[tilespmem:s3+$0x15000] =	vst v9;
	v9 =	vld.idx.msk [tilespmem:v13+s13+$0x0], $0xffff  }
0x1fc: {  	s0 =	sand.u32 $0x3, s20;
	v13 =	vld.idx.msk [tilespmem:v15+s13+$0x0], $0xffff;
	[tilespmem:s1+$0x210] =	vst v10;
	v10 =	vor.u32 $0x380, v3  }
0x1fd: {  	s0 =	sshll.u32 s0, $0x5;
	v15 =	vor.u32 $0x100, v1;
	[tilespmem:s25+$0x180] =	vst v11;
	v8 =	vld.idx.msk [tilespmem:v8+s13+$0x0], $0xffff  }
0x1fe: {  	s0 =	sadd.s32 $0x0, s0;
	s18 =	simm.s32 $0x890;
	v11 =	vor.u32 $0x80, v2;
	v12 =	vld.idx.msk [tilespmem:v12+s13+$0x0], $0xffff  }
0x1ff: {  	s19 =	sor.u32 $0x300, s0;
	v19 =	vor.u32 $0x300, v7;
	v3 =	vshll.u32 v17, $0x3;
	[tilespmem:s25+$0x110] =	vst v5;
	v5 =	vld [tilespmem:s18+$0x0]  }
0x200: {  	s24 =	sadd.s32 $0x15000, s3;
	v3 =	vand.u32 $0xFFFFFC00, v3;
	v18 =	vld.idx.msk [tilespmem:v4+s13+$0x0], $0xffff;
	v4 =	vand.u32 $0x7F, v17;
	v17 =	vor.u32 $0x280, v6;
	[tilespmem:s19+$0x15000] =	vst v9  }
0x201: {  	v3 =	vor.u32 v4, v3;
	v4 =	vshll.u32 v14, $0x3;
	[tilespmem:s24+$0x80] =	vst v13;
	v13 =	vld.idx.msk [tilespmem:v10+s13+$0x0], $0xffff  }
0x202: {  	[tilespmem:s24+$0x10] =	vst v16;
	v9 =	vand.u32 $0x7F, v14;
	v14 =	vor.u32 $0x200, v0;
	v4 =	vand.u32 $0xFFFFFC00, v4;
	v10 =	vld.idx.msk [tilespmem:v15+s13+$0x0], $0xffff  }
0x203: {  	v4 =	vor.u32 v9, v4;
	v9 =	vld.idx.msk [tilespmem:v11+s13+$0x0], $0xffff;
	[tilespmem:s1+$0x290] =	vst v8  }
0x204: {  	[tilespmem:s25+$0x200] =	vst v12;
	v12 =	vld.idx.msk [tilespmem:v19+s13+$0x0], $0xffff  }
0x205: {  	v11 =	vor.u32 $0x180, v1;
	v16 =	vld.idx.msk [tilespmem:v17+s13+$0x0], $0xffff  }
0x206: {  	s7 =	simm.s32 $0x80;
	v15 =	vor.u32 $0x100, v2;
	[tilespmem:s25+$0x190] =	vst v18;
	v17 =	vld.idx.msk [tilespmem:v3+s13+$0x0], $0xffff  }
0x207: {  	s20 =	sand.u32 $0x7E0, s7;
	v7 =	vor.u32 $0x380, v7;
	v19 =	vld.idx.msk [tilespmem:v14+s13+$0x0], $0xffff  }
0x208: {  	v18 =	vor.u32 $0x300, v6;
	v14 =	vld [tilespmem:s20+$0x800]  }
0x209: {  	s28 =	sadd.s32 $0x10, s0;
	v20 =	vor.u32 $0x80, v3;
	[tilespmem:s24+$0x100] =	vst v10;
	v8 =	vld.idx.msk [tilespmem:v4+s13+$0x0], $0xffff  }
0x20a: {  	s6 =	simm.s32 $0x300;
	s29 =	sor.u32 $0x300, s28;
	v11 =	vld.idx.msk [tilespmem:v11+s13+$0x0], $0xffff;
	[tilespmem:s24+$0x90] =	vst v9;
	v9 =	vor.u32 $0x280, v0  }
0x20b: {  	s26 =	sand.u32 $0x3C00, s6;
	s2 =	sand.u32 $0x60, s15;
	v22 =	vor.u32 $0x200, v1;
	v21 =	vld.idx.msk [tilespmem:v15+s13+$0x0], $0xffff;
	[tilespmem:s29+$0x15000] =	vst v12  }
0x20c: {  	s16 =	sor.u32 s2, s26;
	v23 =	vor.u32 $0x180, v2;
	[tilespmem:s25+$0x280] =	vst v16;
	v7 =	vld.idx.msk [tilespmem:v7+s13+$0x0], $0xffff  }
0x20d: {  	s1 =	simm.s32 $0x1;
	[tilespmem:s16+$0x15000] =	vst v17;
	v16 =	vld.idx.msk [tilespmem:v18+s13+$0x0], $0xffff  }
0x20e: {  	s0 =	sor.u32 $0x380, s0;
	s30 =	sand.u32 $0x3, s1;
	v6 =	vor.u32 $0x380, v6;
	[tilespmem:s25+$0x210] =	vst v19;
	v10 =	vld.idx.msk [tilespmem:v20+s13+$0x0], $0xffff  }
0x20f: {  	s11 =	simm.s32 $0x8B0;
	s15 =	simm.s32 $0x80;
	s31 =	sshll.u32 s30, $0x5;
	v15 =	vor.u32 $0x100, v3;
	v9 =	vld.idx.msk [tilespmem:v9+s13+$0x0], $0xffff;
	[tilespmem:s24+$0x180] =	vst v11  }
0x210: {  	s2 =	sor.u32 $0x380, s28;
	s3 =	simm.s32 $0x8;
	s5 =	sadd.s32 $0x100, s31;
	v17 =	vor.u32 $0x80, v4;
	v11 =	vld.idx.msk [tilespmem:v22+s13+$0x0], $0xffff;
	[tilespmem:s24+$0x110] =	vst v21  }
0x211: {  	s14 =	sor.u32 $0x300, s5;
	[tilespmem:s0+$0x15000] =	vst v13;
	s10 =	sadd.s32 $0x10, s5;
	s0 =	simm.s32 $0x300;
	v12 =	vor.u32 $0x300, v0;
	v18 =	vshll.u32 v14, $0x3;
	v13 =	vld.idx.msk [tilespmem:v23+s13+$0x0], $0xffff  }
.LBB2_9:
0x212: {  	v19 =	vld [tilespmem:s11+$0x0];
	v14 =	vand.u32 $0x7F, v14;
	v18 =	vand.u32 $0xFFFFFC00, v18;
	s9 =	sadd.s32 $0x15000, s16;
	v20 =	vor.u32 $0x280, v1;
	[tilespmem:s14+$0x15000] =	vst v16;
	s14 =	sor.u32 $0x300, s10  }
0x213: {  	s10 =	sor.u32 $0x380, s10;
	v18 =	vor.u32 v14, v18;
	v14 =	vshll.u32 v5, $0x3;
	[tilespmem:s9+$0x80] =	vst v10;
	v6 =	vld.idx.msk [tilespmem:v6+s13+$0x0], $0xffff  }
0x214: {  	v5 =	vand.u32 $0x7F, v5;
	v10 =	vand.u32 $0xFFFFFC00, v14;
	v14 =	vld.idx.msk [tilespmem:v15+s13+$0x0], $0xffff;
	[tilespmem:s9+$0x10] =	vst v8;
	v8 =	vor.u32 $0x200, v2  }
0x215: {  	v10 =	vor.u32 v5, v10;
	v15 =	vld.idx.msk [tilespmem:v17+s13+$0x0], $0xffff;
	[tilespmem:s25+$0x290] =	vst v9;
	s25 =	smov.u32 s24;
	s24 =	smov.u32 s9  }
0x216: {  	v9 =	vor.u32 $0x180, v3;
	[tilespmem:s25+$0x200] =	vst v11;
	v11 =	vld.idx.msk [tilespmem:v12+s13+$0x0], $0xffff  }
0x217: {  	v12 =	vor.u32 $0x100, v4;
	v16 =	vld.idx.msk [tilespmem:v20+s13+$0x0], $0xffff;
	[tilespmem:s25+$0x190] =	vst v13;
	v5 =	vmov v19  }
0x218: {  	s5 =	sor.u32 $0x380, s5;
	v13 =	vld.idx.msk [tilespmem:v18+s13+$0x0], $0xffff;
	[tilespmem:s2+$0x15000] =	vst v7;
	s2 =	smov.u32 s10  }
0x219: {  	v7 =	vor.u32 $0x300, v1;
	v17 =	vld.idx.msk [tilespmem:v8+s13+$0x0], $0xffff;
	[tilespmem:s5+$0x15000] =	vst v6  }
0x21a: {  	v6 =	vor.u32 $0x80, v18;
	v8 =	vld.idx.msk [tilespmem:v10+s13+$0x0], $0xffff;
	[tilespmem:s24+$0x100] =	vst v14  }
0x21b: {  	s7 =	sadd.s32 $0x20, s7;
	s6 =	sadd.s32 $0x100, s6;
	v19 =	vld.idx.msk [tilespmem:v9+s13+$0x0], $0xffff;
	[tilespmem:s24+$0x90] =	vst v15;
	v9 =	vor.u32 $0x280, v2  }
0x21c: {  	s9 =	sand.u32 $0x60, s15;
	s10 =	sand.u32 $0x3C00, s6;
	s5 =	sand.u32 $0x7E0, s7;
	v12 =	vld.idx.msk [tilespmem:v12+s13+$0x0], $0xffff;
	[tilespmem:s14+$0x15000] =	vst v11;
	v11 =	vor.u32 $0x380, v0;
	v0 =	vmovc v2;
	v2 =	vmov v4;
	v4 =	vmov v10  }
0x21d: {  	s3 =	sadd.s32 $0x2, s3;
	s15 =	smov.u32 s7;
	v20 =	vor.u32 $0x200, v3;
	s16 =	sor.u32 s9, s10;
	v14 =	vld [tilespmem:s5+$0x800];
	[tilespmem:s25+$0x280] =	vst v16  }
0x21e: {  	p1 =	slt.u32 s3, $0x7E;
	[tilespmem:s16+$0x15000] =	vst v13;
	v13 =	vor.u32 $0x180, v2;
	v16 =	vld.idx.msk [tilespmem:v7+s13+$0x0], $0xffff  }
.Ltmp5:
0x21f: {  	s1 =	sadd.s32 $0x1, s1;
	v10 =	vld.idx.msk [tilespmem:v6+s13+$0x0], $0xffff;
	[tilespmem:s25+$0x210] =	vst v17;
	(pc) =	sbr.rel @p1 .LBB2_9-.Ltmp5, $4  }
0x220: {  	s5 =	sand.u32 $0x3, s1;
	v6 =	vor.u32 $0x380, v1;
	v1 =	vmov v3;
	v3 =	vmov v18;
	v9 =	vld.idx.msk [tilespmem:v9+s13+$0x0], $0xffff  }
0x221: {  	s5 =	sshll.u32 s5, $0x5;
	v15 =	vor.u32 $0x100, v3;
	[tilespmem:s24+$0x180] =	vst v19;
	v7 =	vld.idx.msk [tilespmem:v11+s13+$0x0], $0xffff  }
0x222: {  	v17 =	vor.u32 $0x80, v4;
	s5 =	sadd.s32 s5, s23;
	s23 =	smov.u32 s0;
	s0 =	smov.u32 s6;
	v11 =	vld.idx.msk [tilespmem:v20+s13+$0x0], $0xffff;
	[tilespmem:s24+$0x110] =	vst v12  }
0x223: {  	s11 =	sadd.s32 $0x20, s11;
	s14 =	sor.u32 $0x300, s5;
	s10 =	sadd.s32 $0x10, s5;
	v18 =	vshll.u32 v14, $0x3;
	v12 =	vor.u32 $0x300, v0;
	v13 =	vld.idx.msk [tilespmem:v13+s13+$0x0], $0xffff  }
0x224: {  	v14 =	vand.u32 $0x7F, v14;
	v18 =	vand.u32 $0xFFFFFC00, v18;
	v19 =	vshll.u32 v5, $0x3  }
0x225: {  	v22 =	vand.u32 $0x7F, v5;
	v14 =	vor.u32 v14, v18;
	v23 =	vand.u32 $0xFFFFFC00, v19  }
0x226: {  	v5 =	vor.u32 v22, v23;
	_ =	sdelay $0x3  }
0x227: {  	v24 =	vld.idx.msk [tilespmem:v14+s13+$0x0], $0xffff  }
0x228: {  	v25 =	vor.u32 $0x80, v14;
	v20 =	vld.idx.msk [tilespmem:v5+s13+$0x0], $0xffff  }
0x229: {  	s3 =	sadd.s32 $0x100, s6;
	v21 =	vor.u32 $0x80, v5  }
0x22a: {  	[tilespmem:s14+$0x15000] =	vst v16;
	s7 =	sadd.s32 $0x15000, s16;
	s31 =	sand.u32 $0x60, s15;
	s9 =	sand.u32 $0x3C00, s3  }
0x22b: {  	[tilespmem:s7+$0x10] =	vst v8;
	s6 =	sor.u32 s31, s9  }
0x22c: {  	v8 =	vld.idx.msk [tilespmem:v17+s13+$0x0], $0xffff;
	[tilespmem:s6+$0x15000] =	vst v24;
	s6 =	sadd.s32 $0x15000, s6  }
0x22d: {  	v26 =	vor.u32 $0x100, v4;
	v27 =	vld.idx.msk [tilespmem:v25+s13+$0x0], $0xffff;
	[tilespmem:s6+$0x10] =	vst v20  }
0x22e: {  	[tilespmem:s7+$0x80] =	vst v10;
	v28 =	vor.u32 $0x100, v14;
	v29 =	vld.idx.msk [tilespmem:v21+s13+$0x0], $0xffff  }
0x22f: {  	[tilespmem:s25+$0x290] =	vst v9;
	v30 =	vor.u32 $0x100, v5  }
0x230: {  	[tilespmem:s2+$0x15000] =	vst v7  }
0x231: {  	v31 =	vld.idx.msk [tilespmem:v15+s13+$0x0], $0xffff;
	[tilespmem:s7+$0x90] =	vst v8  }
0x232: {  	v32 =	vor.u32 $0x180, v3;
	v33 =	vld.idx.msk [tilespmem:v26+s13+$0x0], $0xffff;
	[tilespmem:s6+$0x80] =	vst v27  }
0x233: {  	v34 =	vor.u32 $0x180, v4;
	v10 =	vld.idx.msk [tilespmem:v28+s13+$0x0], $0xffff;
	[tilespmem:s6+$0x90] =	vst v29  }
0x234: {  	v35 =	vor.u32 $0x180, v14;
	[tilespmem:s24+$0x200] =	vst v11;
	v9 =	vld.idx.msk [tilespmem:v30+s13+$0x0], $0xffff  }
0x235: {  	v6 =	vld.idx.msk [tilespmem:v6+s13+$0x0], $0xffff;
	v36 =	vor.u32 $0x180, v5;
	[tilespmem:s24+$0x190] =	vst v13  }
0x236: {  	v37 =	vor.u32 $0x280, v1;
	v12 =	vld.idx.msk [tilespmem:v12+s13+$0x0], $0xffff;
	[tilespmem:s7+$0x100] =	vst v31  }
0x237: {  	v38 =	vor.u32 $0x200, v2;
	v8 =	vld.idx.msk [tilespmem:v32+s13+$0x0], $0xffff;
	[tilespmem:s7+$0x110] =	vst v33  }
0x238: {  	v39 =	vor.u32 $0x200, v3;
	v16 =	vld.idx.msk [tilespmem:v34+s13+$0x0], $0xffff;
	[tilespmem:s6+$0x100] =	vst v10  }
0x239: {  	s5 =	sor.u32 $0x380, s5;
	v40 =	vor.u32 $0x200, v4;
	v13 =	vld.idx.msk [tilespmem:v35+s13+$0x0], $0xffff;
	[tilespmem:s6+$0x110] =	vst v9  }
0x23a: {  	s9 =	sor.u32 $0x300, s10;
	v41 =	vor.u32 $0x200, v14;
	[tilespmem:s5+$0x15000] =	vst v6;
	v7 =	vld.idx.msk [tilespmem:v36+s13+$0x0], $0xffff  }
0x23b: {  	v43 =	vor.u32 $0x200, v5;
	v42 =	vld.idx.msk [tilespmem:v37+s13+$0x0], $0xffff;
	[tilespmem:s9+$0x15000] =	vst v12  }
0x23c: {  	v0 =	vor.u32 $0x380, v0;
	v11 =	vld.idx.msk [tilespmem:v38+s13+$0x0], $0xffff;
	[tilespmem:s7+$0x180] =	vst v8  }
0x23d: {  	v45 =	vor.u32 $0x280, v2;
	v15 =	vld.idx.msk [tilespmem:v39+s13+$0x0], $0xffff;
	[tilespmem:s7+$0x190] =	vst v16  }
0x23e: {  	v46 =	vor.u32 $0x280, v3;
	v10 =	vld.idx.msk [tilespmem:v40+s13+$0x0], $0xffff;
	[tilespmem:s6+$0x180] =	vst v13  }
0x23f: {  	v47 =	vor.u32 $0x280, v4;
	v6 =	vld.idx.msk [tilespmem:v41+s13+$0x0], $0xffff;
	[tilespmem:s6+$0x190] =	vst v7  }
0x240: {  	v48 =	vor.u32 $0x280, v14;
	[tilespmem:s24+$0x280] =	vst v42;
	v49 =	vld.idx.msk [tilespmem:v43+s13+$0x0], $0xffff  }
0x241: {  	v51 =	vor.u32 $0x280, v5;
	v0 =	vld.idx.msk [tilespmem:v0+s13+$0x0], $0xffff;
	[tilespmem:s24+$0x210] =	vst v11  }
0x242: {  	v44 =	vor.u32 $0x300, v1;
	v8 =	vld.idx.msk [tilespmem:v45+s13+$0x0], $0xffff;
	[tilespmem:s7+$0x200] =	vst v15  }
0x243: {  	v52 =	vor.u32 $0x300, v2;
	v16 =	vld.idx.msk [tilespmem:v46+s13+$0x0], $0xffff;
	[tilespmem:s7+$0x210] =	vst v10  }
0x244: {  	v53 =	vor.u32 $0x300, v3;
	v13 =	vld.idx.msk [tilespmem:v47+s13+$0x0], $0xffff;
	[tilespmem:s6+$0x200] =	vst v6  }
0x245: {  	v54 =	vor.u32 $0x300, v4;
	s15 =	sor.u32 $0x380, s10;
	v7 =	vld.idx.msk [tilespmem:v48+s13+$0x0], $0xffff;
	[tilespmem:s6+$0x210] =	vst v49  }
0x246: {  	v55 =	vor.u32 $0x300, v14;
	[tilespmem:s15+$0x15000] =	vst v0;
	v11 =	vld.idx.msk [tilespmem:v51+s13+$0x0], $0xffff  }
0x247: {  	s1 =	sadd.s32 $0x1, s1;
	v56 =	vor.u32 $0x300, v5;
	v50 =	vld.idx.msk [tilespmem:v44+s13+$0x0], $0xffff;
	[tilespmem:s24+$0x290] =	vst v8  }
0x248: {  	v57 =	vor.u32 $0x380, v1;
	s11 =	sand.u32 $0x3, s1;
	v58 =	vld.idx.msk [tilespmem:v52+s13+$0x0], $0xffff;
	[tilespmem:s7+$0x280] =	vst v16  }
0x249: {  	v59 =	vor.u32 $0x380, v2;
	s1 =	sadd.s32 $0x1, s1;
	s2 =	sshll.u32 s11, $0x5;
	v10 =	vld.idx.msk [tilespmem:v53+s13+$0x0], $0xffff;
	[tilespmem:s7+$0x290] =	vst v13  }
0x24a: {  	v60 =	vor.u32 $0x380, v3;
	s16 =	sand.u32 $0x3, s1;
	s1 =	sadd.s32 $0x1, s1;
	s2 =	sadd.s32 s2, s23;
	v6 =	vld.idx.msk [tilespmem:v54+s13+$0x0], $0xffff;
	[tilespmem:s6+$0x280] =	vst v7  }
0x24b: {  	v61 =	vor.u32 $0x380, v4;
	s14 =	sor.u32 $0x300, s2;
	s17 =	sadd.s32 $0x10, s2;
	s7 =	sshll.u32 s16, $0x5;
	v7 =	vld.idx.msk [tilespmem:v55+s13+$0x0], $0xffff;
	[tilespmem:s6+$0x290] =	vst v11  }
0x24c: {  	v62 =	vor.u32 $0x380, v14;
	s1 =	sand.u32 $0x3, s1;
	s18 =	sor.u32 $0x300, s17;
	[tilespmem:s14+$0x15000] =	vst v50;
	s0 =	sadd.s32 s7, s0;
	v8 =	vld.idx.msk [tilespmem:v56+s13+$0x0], $0xffff  }
0x24d: {  	s1 =	sshll.u32 s1, $0x5;
	v5 =	vor.u32 $0x380, v5;
	v1 =	vld.idx.msk [tilespmem:v57+s13+$0x0], $0xffff;
	[tilespmem:s18+$0x15000] =	vst v58;
	s19 =	sor.u32 $0x300, s0;
	s20 =	sadd.s32 $0x10, s0  }
0x24e: {  	s1 =	sadd.s32 s1, s3;
	v2 =	vld.idx.msk [tilespmem:v59+s13+$0x0], $0xffff;
	[tilespmem:s19+$0x15000] =	vst v10;
	s23 =	sor.u32 $0x300, s20  }
0x24f: {  	s3 =	sor.u32 $0x300, s1;
	s24 =	sadd.s32 $0x10, s1;
	v3 =	vld.idx.msk [tilespmem:v60+s13+$0x0], $0xffff;
	[tilespmem:s23+$0x15000] =	vst v6  }
0x250: {  	s25 =	sor.u32 $0x300, s24;
	v4 =	vld.idx.msk [tilespmem:v61+s13+$0x0], $0xffff;
	[tilespmem:s3+$0x15000] =	vst v7  }
0x251: {  	s2 =	sor.u32 $0x380, s2;
	v0 =	vld.idx.msk [tilespmem:v62+s13+$0x0], $0xffff;
	[tilespmem:s25+$0x15000] =	vst v8  }
0x252: {  	s26 =	sor.u32 $0x380, s17;
	[tilespmem:s2+$0x15000] =	vst v1;
	v63 =	vld.idx.msk [tilespmem:v5+s13+$0x0], $0xffff  }
0x253: {  	[tilespmem:s26+$0x15000] =	vst v2;
	s0 =	sor.u32 $0x380, s0  }
0x254: {  	s28 =	sor.u32 $0x380, s20;
	[tilespmem:s0+$0x15000] =	vst v3  }
.Ltmp6:
0x255: {  	s29 =	sor.u32 $0x380, s1;
	[tilespmem:s28+$0x15000] =	vst v4;
	(pc) =	sbr.rel @p0 .LBB2_12-.Ltmp6, $4  }
0x256: {  	s30 =	sor.u32 $0x380, s24;
	[tilespmem:s29+$0x15000] =	vst v0  }
0x257: {  	[tilespmem:s30+$0x15000] =	vst v63  }
0x258: {  	s31 =	sadd.s32 s22, s8;
	s9 =	simm.s32 $0x15000;
	[bflag:$0x0] =	sbarrier.arrive $0xFFFF  }
0x259: {  	[hbm4b:s31+s4] =	stream.linear.scatter [tilespmem:s9], [sflag:$0x4], $0x4000, $0x38;
	[tilespmem:$0x19000] =	vst v63  }
.Ltmp7:
0x25a: {  	(pc) =	sbr.rel .LBB2_2-.Ltmp7, $4  }
0x25b: {  	_ = 	snop  }
0x25c: {  	s0 =	rddreg [dreg:$0x7]  }
0x25d: {  	s21 =	sadd.s32 $0x1, s21;
	s0 =	sadd.s32 s22, s0  }
0x25e: {  	[tilespmem:s13], [sflag:$0x2] =	stream.linear.gather [hbm4b:s0+s4], $0x8000, $0x38;
	[tilespmem:$0x19000] =	vst v63  }
.LBB2_13:
0x25f: {  	_ =	sfence.sel $0x180000  }
0x260: {  	[bflag:$0x0] =	sbarrier.arrive $0xFFFF  }
0x261: {  	_ =	strace $0x90000047  }
0x262: {  	s0 =	stileid.u32;
	[bflag:$0x2] =	sbarrier.arrive $0xFFFF  }
0x263: {  	p0 =	sne.s32 s0, $0x0;
	s0 =	rddreg [dreg:$0x3]  }
0x264: {  	s0 =	sadd.s32 @!p0 $0x100000, s0  }
0x265: {  	[sflag:s0] =	ssyncadd.tile.s32 @!p0 $0x1;
	_ =	shalt  }
.Lfunc_end2:
_tile_overlayer_lowered:
.L_overlay_start_2:
0x266: {  	(tag) =	ssettag $0x2  }
0x267: {  	s0 =	rddreg [dreg:$0x0];
	s2 =	stileid.u32  }
0x268: {  	s1 =	rddreg [dreg:$0x1];
	p0 =	sne.s32 s2, $0x0  }
0x269: {  	s3 =	rddreg [dreg:$0x2];
	[bflag:$0x3] =	sbarrier.arrive $0xFFFF;
	s2 =	simm.s32 @!p0 $0x1C05  }
0x26a: {  	[timem:s3], [sflag:s2] =	dma.local @!p0 [hbm:s0], s1  }
0x26b: {  	s0 =	simm.s32 @!p0 $0x5  }
0x26c: {  	_ =	swait.ge @!p0 [sflag:s0], s1  }
0x26d: {  	s1 =	ssub.s32 @!p0 $0x0, s1;
	[sflag:s0] =	ssyncset.done @!p0 $0x0  }
0x26e: {  	[sflag:s0] =	ssyncadd.s32 @!p0 s1  }
0x26f: {  	[bflag:$0x3] =	sbarrier.arrive $0xFFFF  }
0x270: {  	_ =	shalt  }

</sc_bundles>
